<compile_context>
chip_gen: v7x
topology: tpu7x:2x2x1
jax: 0.10.2.dev20260603
libtpu: 0.0.44.dev20260713+nightly
codegen_flags: <defaults>
</compile_context>

<pallas_src>
import jax
import jax.numpy as jnp
from jax import lax
from jax.experimental import pallas as pl
from jax.experimental.pallas import tpu as pltpu
from jax.experimental.pallas import tpu_sc as plsc

_H = 128
_B = 16
_L = 2048
_HALF = _L // 2
_SEGS = 16
_W = _SEGS * _L
_SROW = _L + 128
_OROW = _L + 16
_LN2 = 0.6931471805599453


def _tc_body(xs_ref, xn_ref, ws_ref, wn_ref, w1_ref, b1_ref, w2_ref,
             b2_ref, wsc_ref, wst_ref, out_ref):
    ones_row = jnp.ones((1, _W), dtype=jnp.float32)
    x3 = jnp.concatenate([xs_ref[0], xn_ref[0], ones_row], axis=0)

    wsn = jnp.concatenate([ws_ref[...], wn_ref[...]], axis=1)
    a3 = jnp.concatenate([w1_ref[...] @ wsn, b1_ref[...]], axis=1)

    z = a3 @ x3
    h = z * jax.nn.sigmoid(z)
    z = w2_ref[...] @ h + b2_ref[...]
    h = z * jax.nn.sigmoid(z)

    scores = wsc_ref[...] @ h

    pool = jnp.ones((_HALF, 1), dtype=jnp.float32) * (1.0 / _HALF)
    i = pl.program_id(0)
    pad = jnp.zeros((1, _SROW - _L - 2), dtype=jnp.float32)
    for k in range(_SEGS):
        seg_scores = scores[:, k * _L:(k + 1) * _L]
        stop_vec = h[:, k * _L:k * _L + _HALF] @ pool
        stop_raw = wst_ref[...] @ stop_vec
        row = jnp.concatenate(
            [seg_scores, stop_raw[0:1, 0:1], stop_raw[1:2, 0:1], pad], axis=1)
        out_ref[pl.ds(i * _SEGS + k, 1), :] = row


def _rotate(v, k):
    idx = (lax.iota(jnp.int32, 16) + k) & 15
    return v.at[idx].get(mode="promise_in_bounds")


def _all_lanes_max(v):
    for k in (8, 4, 2, 1):
        v = jnp.maximum(v, _rotate(v, k))
    return v


def _all_lanes_sum(v):
    for k in (8, 4, 2, 1):
        v = v + _rotate(v, k)
    return v


def _splat(v, lane):
    idx = jnp.zeros((16,), jnp.int32) + lane
    return v.at[idx].get(mode="promise_in_bounds")


def _ln(tv):
    ti = lax.bitcast_convert_type(tv, jnp.int32)
    e = ((ti >> 23) - 127).astype(jnp.float32)
    y = e * _LN2 + 0.3466
    for _ in range(3):
        y = y - 1.0 + tv * jnp.exp(-y)
    return y


def _sc_body(srow_hbm, out_hbm, row_v, out_v):
    wid = lax.axis_index("s") * 2 + lax.axis_index("c")

    @pl.when(wid < _B)
    def _():
        pltpu.sync_copy(srow_hbm.at[wid], row_v)

        def mx_body(i, acc):
            for j in range(8):
                acc = jnp.maximum(acc, row_v[pl.ds(i * 128 + j * 16, 16)])
            return acc

        acc = lax.fori_loop(0, _L // 128, mx_body,
                            jnp.full((16,), -3e38, jnp.float32))
        m = _all_lanes_max(acc)

        def se_body(i, s):
            for j in range(8):
                s = s + jnp.exp(row_v[pl.ds(i * 128 + j * 16, 16)] - m)
            return s

        s = lax.fori_loop(0, _L // 128, se_body,
                          jnp.zeros((16,), jnp.float32))
        tot = _all_lanes_sum(s)
        lse = _ln(tot) + m

        sv = row_v[pl.ds(_L, 16)]
        s0 = _splat(sv, 0)
        s1 = _splat(sv, 1)
        sm = jnp.maximum(s0, s1)
        stop_lse = _ln(jnp.exp(s0 - sm) + jnp.exp(s1 - sm)) + sm
        shift = (s0 - stop_lse) - lse

        def out_body(i, carry):
            for j in range(8):
                o = i * 128 + j * 16
                out_v[pl.ds(o, 16)] = row_v[pl.ds(o, 16)] + shift
            return carry

        lax.fori_loop(0, _L // 128, out_body, 0)
        lane = lax.iota(jnp.int32, 16)
        out_v[pl.ds(_L, 16)] = jnp.where(lane == 0, s1 - stop_lse, 0.0)
        pltpu.sync_copy(out_v, out_hbm.at[wid])


def kernel(x_seeds, x_nodes, W_seed, W_node, W1, b1, W2, b2, W_score,
           W_stop, indptr):
    del indptr
    nblk = _B // _SEGS

    def fixed(i):
        return (0, 0)

    srows = pl.pallas_call(
        _tc_body,
        grid=(nblk,),
        in_specs=[
            pl.BlockSpec((1, 1, _W), lambda i: (i, 0, 0)),
            pl.BlockSpec((1, 1, _W), lambda i: (i, 0, 0)),
            pl.BlockSpec((_H, 1), fixed),
            pl.BlockSpec((_H, 1), fixed),
            pl.BlockSpec((_H, _H), fixed),
            pl.BlockSpec((_H, 1), fixed),
            pl.BlockSpec((_H, _H), fixed),
            pl.BlockSpec((_H, 1), fixed),
            pl.BlockSpec((1, _H), fixed),
            pl.BlockSpec((2, _H), fixed),
        ],
        out_specs=pl.BlockSpec((_B, _SROW), lambda i: (0, 0)),
        out_shape=jax.ShapeDtypeStruct((_B, _SROW), jnp.float32),
    )(x_seeds.reshape(nblk, 1, _W), x_nodes.reshape(nblk, 1, _W),
      W_seed, W_node, W1, b1.reshape(_H, 1), W2, b2.reshape(_H, 1),
      W_score, W_stop)

    mesh = plsc.VectorSubcoreMesh(core_axis_name="c", subcore_axis_name="s")
    out_pad = pl.kernel(
        _sc_body,
        out_type=jax.ShapeDtypeStruct((_B, _OROW), jnp.float32),
        mesh=mesh,
        scratch_types=[
            pltpu.VMEM((_SROW,), jnp.float32),
            pltpu.VMEM((_OROW,), jnp.float32),
        ],
    )(srows)
    return out_pad[:, :_L + 1]

# --- scband reference (transcript-rebuilt; emitter-appended) ---
"""Pipeline reference for scband-agent-46248207843721 (READ-ONLY COPY).

The authoritative reference and input builder live on the scoring server;
editing this copy changes nothing except your own understanding.
"""

import jax, jax.numpy as jnp
import numpy as np

H = 128
B = 16
L = 2048
TOTAL = B * L


def swish(x):
    return x * jax.nn.sigmoid(x)


def setup_inputs(seed: int = 0) -> dict:
    key = jax.random.key(seed)
    ks = jax.random.split(key, 8)
    x_seeds = jax.random.normal(ks[0], (TOTAL, 1), dtype=jnp.float32)
    x_nodes = jax.random.normal(ks[1], (TOTAL, 1), dtype=jnp.float32)
    starts = np.arange(B, dtype=np.int32) * L
    ends = starts + L // 2
    cands = starts + L
    indptr = jnp.asarray(np.stack([starts, ends, cands], axis=1), dtype=jnp.int32)
    W_seed = jax.random.normal(ks[2], (H, 1), dtype=jnp.float32)
    W_node = jax.random.normal(ks[3], (H, 1), dtype=jnp.float32)
    W1 = jax.random.normal(ks[4], (H, H), dtype=jnp.float32) / np.sqrt(H)
    b1 = jnp.zeros((H,), dtype=jnp.float32)
    W2 = jax.random.normal(ks[5], (H, H), dtype=jnp.float32) / np.sqrt(H)
    b2 = jnp.zeros((H,), dtype=jnp.float32)
    W_score = jax.random.normal(ks[6], (1, H), dtype=jnp.float32) / np.sqrt(H)
    W_stop = jax.random.normal(ks[7], (2, H), dtype=jnp.float32) / np.sqrt(H)
    return {"x_seeds": x_seeds, "x_nodes": x_nodes, "W_seed": W_seed, "W_node": W_node,
            "W1": W1, "b1": b1, "W2": W2, "b2": b2, "W_score": W_score, "W_stop": W_stop,
            "indptr": indptr}


def reference(x_seeds, x_nodes, W_seed, W_node, W1, b1, W2, b2, W_score, W_stop, indptr):
    h = x_seeds @ W_seed.T + x_nodes @ W_node.T
    h = swish(h @ W1.T + b1)
    h = swish(h @ W2.T + b2)
    node_scores = (h @ W_score.T)[:, 0]
    nb = indptr.shape[0]
    seg = h.shape[0] // nb
    half = seg // 2
    outs = []
    for i in range(nb):
        s = indptr[i, 0]
        stop_seg = jax.lax.dynamic_slice(h, (s, jnp.int32(0)), (half, h.shape[1]))
        stop_node = jnp.mean(stop_seg, axis=0, keepdims=True)
        seg_scores = jax.lax.dynamic_slice(node_scores, (s,), (seg,))
        node_logits = jax.nn.log_softmax(seg_scores, axis=0)
        stopping_logits = jax.nn.log_softmax(stop_node @ W_stop.T, axis=1)[0]
        logits = jnp.concatenate([node_logits + stopping_logits[0], stopping_logits[1:]], axis=0)
        outs.append(logits)
    return jnp.stack(outs, axis=0)

if __name__ == "__main__":
    import jax
    _d = setup_inputs()
    print(jax.jit(kernel)(*tuple(_d.values())))

</pallas_src>

<mosaic_0001>
#map = affine_map<(d0, d1) -> (0, 0)>
module attributes {stable_mosaic.version = 14 : i64} {
  func.func @_sc_body(%arg0: i32, %arg1: i32, %arg2: memref<16x2176xf32, #tpu.memory_space<hbm>>, %arg3: memref<16x2064xf32, #tpu.memory_space<hbm>>, %arg4: memref<2176xf32, #tpu.memory_space<vmem>>, %arg5: memref<2064xf32, #tpu.memory_space<vmem>>) attributes {dimension_semantics = [#tpu.dimension_semantics<core_parallel>, #tpu.dimension_semantics<subcore_parallel>], iteration_bounds = array<i64: 2, 16>, scalar_prefetch = 0 : i64, scratch_operands = 2 : i64, tpu.core_type = #tpu.core_type<sc_vector_subcore>, window_params = [{transform_indices = #map}, {transform_indices = #map}]} {
    %mul3A = arith.constant 2 : i32
    %mul3A_0 = arith.muli %arg1, %mul3A : i32
    %add3A = arith.addi %mul3A_0, %arg0 : i32
    %lt3A = arith.constant 16 : i32
    %lt3A_1 = arith.cmpi slt, %add3A, %lt3A : i32
    %convert_element_type3A = arith.extui %lt3A_1 : i1 to i32
    %cond3A = arith.constant 0 : i32
    %cond3A_2 = arith.cmpi ne, %convert_element_type3A, %cond3A : i32
    scf.if %cond3A_2 {
      "tpu.region"() ({
        %run_scoped3A = tpu.sem_alloc : memref<!tpu.dma_semaphore, #tpu.memory_space<semaphore_mem>>
        %dma_start3A = arith.constant 0 : i32
        %dma_start3A_290 = tpu.memref_slice %arg2[%add3A, %dma_start3A] : memref<16x2176xf32, #tpu.memory_space<hbm>> -> memref<1x2176xf32, #tpu.memory_space<hbm>>
        %dma_start3A_291 = tpu.memref_squeeze %dma_start3A_290 : memref<1x2176xf32, #tpu.memory_space<hbm>> -> memref<2176xf32, #tpu.memory_space<hbm>>
        %dma_start3A_292 = arith.constant 0 : i32
        %dma_start3A_293 = tpu.memref_slice %arg2[%add3A, %dma_start3A_292] : memref<16x2176xf32, #tpu.memory_space<hbm>> -> memref<1x2176xf32, #tpu.memory_space<hbm>>
        %dma_start3A_294 = tpu.memref_squeeze %dma_start3A_293 : memref<1x2176xf32, #tpu.memory_space<hbm>> -> memref<2176xf32, #tpu.memory_space<hbm>>
        tpu.enqueue_dma source(%dma_start3A_294 : memref<2176xf32, #tpu.memory_space<hbm>>) target(%arg4 : memref<2176xf32, #tpu.memory_space<vmem>>) target_semaphore(%run_scoped3A : memref<!tpu.dma_semaphore, #tpu.memory_space<semaphore_mem>>)
        %dma_wait3A = arith.constant 0 : i32
        %dma_wait3A_295 = tpu.memref_slice %arg2[%add3A, %dma_wait3A] : memref<16x2176xf32, #tpu.memory_space<hbm>> -> memref<1x2176xf32, #tpu.memory_space<hbm>>
        %dma_wait3A_296 = tpu.memref_squeeze %dma_wait3A_295 : memref<1x2176xf32, #tpu.memory_space<hbm>> -> memref<2176xf32, #tpu.memory_space<hbm>>
        %dma_wait3A_297 = arith.constant 0 : i32
        %dma_wait3A_298 = tpu.memref_slice %arg2[%add3A, %dma_wait3A_297] : memref<16x2176xf32, #tpu.memory_space<hbm>> -> memref<1x2176xf32, #tpu.memory_space<hbm>>
        %dma_wait3A_299 = tpu.memref_squeeze %dma_wait3A_298 : memref<1x2176xf32, #tpu.memory_space<hbm>> -> memref<2176xf32, #tpu.memory_space<hbm>>
        tpu.wait_dma2 semaphore(%run_scoped3A : memref<!tpu.dma_semaphore, #tpu.memory_space<semaphore_mem>>) src(%dma_wait3A_299 : memref<2176xf32, #tpu.memory_space<hbm>>) dst(%arg4 : memref<2176xf32, #tpu.memory_space<vmem>>)
        tpu.yield
      }) : () -> ()
      %broadcast_in_dim3A = arith.constant -3.000000e+38 : f32
      %broadcast_in_dim3A_3 = vector.broadcast %broadcast_in_dim3A : f32 to vector<16xf32>
      %scan3A = arith.constant 0 : i32
      %scan3A_4 = arith.constant 16 : i32
      %scan3A_5 = arith.addi %scan3A, %scan3A_4 : i32
      %scan3A_6 = arith.constant 1 : i32
      %scan3A_7 = scf.for %scan3A_290 = %scan3A to %scan3A_5 step %scan3A_6 iter_args(%scan3A_291 = %broadcast_in_dim3A_3) -> (vector<16xf32>)  : i32 {
        %mul3A_292 = arith.constant 128 : i32
        %mul3A_293 = arith.muli %scan3A_290, %mul3A_292 : i32
        %add3A_294 = arith.constant 0 : i32
        %add3A_295 = arith.addi %mul3A_293, %add3A_294 : i32
        %get3A_296 = arith.index_cast %add3A_295 : i32 to index
        %get3A_297 = tpu.vector_load %arg4[%get3A_296] {strides = array<i32>} : memref<2176xf32, #tpu.memory_space<vmem>>, vector<16xf32>,
        %get3A_298 = vector.shape_cast %get3A_297 : vector<16xf32> to vector<16xf32>
        %max3A_299 = arith.maximumf %scan3A_291, %get3A_298 : vector<16xf32>
        %mul3A_300 = arith.constant 128 : i32
        %mul3A_301 = arith.muli %scan3A_290, %mul3A_300 : i32
        %add3A_302 = arith.constant 16 : i32
        %add3A_303 = arith.addi %mul3A_301, %add3A_302 : i32
        %get3A_304 = arith.index_cast %add3A_303 : i32 to index
        %get3A_305 = tpu.vector_load %arg4[%get3A_304] {strides = array<i32>} : memref<2176xf32, #tpu.memory_space<vmem>>, vector<16xf32>,
        %get3A_306 = vector.shape_cast %get3A_305 : vector<16xf32> to vector<16xf32>
        %max3A_307 = arith.maximumf %max3A_299, %get3A_306 : vector<16xf32>
        %mul3A_308 = arith.constant 128 : i32
        %mul3A_309 = arith.muli %scan3A_290, %mul3A_308 : i32
        %add3A_310 = arith.constant 32 : i32
        %add3A_311 = arith.addi %mul3A_309, %add3A_310 : i32
        %get3A_312 = arith.index_cast %add3A_311 : i32 to index
        %get3A_313 = tpu.vector_load %arg4[%get3A_312] {strides = array<i32>} : memref<2176xf32, #tpu.memory_space<vmem>>, vector<16xf32>,
        %get3A_314 = vector.shape_cast %get3A_313 : vector<16xf32> to vector<16xf32>
        %max3A_315 = arith.maximumf %max3A_307, %get3A_314 : vector<16xf32>
        %mul3A_316 = arith.constant 128 : i32
        %mul3A_317 = arith.muli %scan3A_290, %mul3A_316 : i32
        %add3A_318 = arith.constant 48 : i32
        %add3A_319 = arith.addi %mul3A_317, %add3A_318 : i32
        %get3A_320 = arith.index_cast %add3A_319 : i32 to index
        %get3A_321 = tpu.vector_load %arg4[%get3A_320] {strides = array<i32>} : memref<2176xf32, #tpu.memory_space<vmem>>, vector<16xf32>,
        %get3A_322 = vector.shape_cast %get3A_321 : vector<16xf32> to vector<16xf32>
        %max3A_323 = arith.maximumf %max3A_315, %get3A_322 : vector<16xf32>
        %mul3A_324 = arith.constant 128 : i32
        %mul3A_325 = arith.muli %scan3A_290, %mul3A_324 : i32
        %add3A_326 = arith.constant 64 : i32
        %add3A_327 = arith.addi %mul3A_325, %add3A_326 : i32
        %get3A_328 = arith.index_cast %add3A_327 : i32 to index
        %get3A_329 = tpu.vector_load %arg4[%get3A_328] {strides = array<i32>} : memref<2176xf32, #tpu.memory_space<vmem>>, vector<16xf32>,
        %get3A_330 = vector.shape_cast %get3A_329 : vector<16xf32> to vector<16xf32>
        %max3A_331 = arith.maximumf %max3A_323, %get3A_330 : vector<16xf32>
        %mul3A_332 = arith.constant 128 : i32
        %mul3A_333 = arith.muli %scan3A_290, %mul3A_332 : i32
        %add3A_334 = arith.constant 80 : i32
        %add3A_335 = arith.addi %mul3A_333, %add3A_334 : i32
        %get3A_336 = arith.index_cast %add3A_335 : i32 to index
        %get3A_337 = tpu.vector_load %arg4[%get3A_336] {strides = array<i32>} : memref<2176xf32, #tpu.memory_space<vmem>>, vector<16xf32>,
        %get3A_338 = vector.shape_cast %get3A_337 : vector<16xf32> to vector<16xf32>
        %max3A_339 = arith.maximumf %max3A_331, %get3A_338 : vector<16xf32>
        %mul3A_340 = arith.constant 128 : i32
        %mul3A_341 = arith.muli %scan3A_290, %mul3A_340 : i32
        %add3A_342 = arith.constant 96 : i32
        %add3A_343 = arith.addi %mul3A_341, %add3A_342 : i32
        %get3A_344 = arith.index_cast %add3A_343 : i32 to index
        %get3A_345 = tpu.vector_load %arg4[%get3A_344] {strides = array<i32>} : memref<2176xf32, #tpu.memory_space<vmem>>, vector<16xf32>,
        %get3A_346 = vector.shape_cast %get3A_345 : vector<16xf32> to vector<16xf32>
        %max3A_347 = arith.maximumf %max3A_339, %get3A_346 : vector<16xf32>
        %mul3A_348 = arith.constant 128 : i32
        %mul3A_349 = arith.muli %scan3A_290, %mul3A_348 : i32
        %add3A_350 = arith.constant 112 : i32
        %add3A_351 = arith.addi %mul3A_349, %add3A_350 : i32
        %get3A_352 = arith.index_cast %add3A_351 : i32 to index
        %get3A_353 = tpu.vector_load %arg4[%get3A_352] {strides = array<i32>} : memref<2176xf32, #tpu.memory_space<vmem>>, vector<16xf32>,
        %get3A_354 = vector.shape_cast %get3A_353 : vector<16xf32> to vector<16xf32>
        %max3A_355 = arith.maximumf %max3A_347, %get3A_354 : vector<16xf32>
        scf.yield %max3A_355 : vector<16xf32>
      }
      %scan3A_8 = arith.constant 16 : i32
      %iota3A = tpu.iota {dimensions = array<i32: 0>} : vector<16xi32>
      %add3A_9 = arith.constant 8 : i32
      %add3A_10 = vector.broadcast %add3A_9 : i32 to vector<16xi32>
      %add3A_11 = arith.addi %iota3A, %add3A_10 : vector<16xi32>
      %and3A = arith.constant 15 : i32
      %and3A_12 = vector.broadcast %and3A : i32 to vector<16xi32>
      %and3A_13 = arith.andi %add3A_11, %and3A_12 : vector<16xi32>
      %lt3A_14 = arith.constant 0 : i32
      %lt3A_15 = vector.broadcast %lt3A_14 : i32 to vector<16xi32>
      %lt3A_16 = arith.cmpi slt, %and3A_13, %lt3A_15 : vector<16xi32>
      %add3A_17 = arith.constant 16 : i32
      %add3A_18 = vector.broadcast %add3A_17 : i32 to vector<16xi32>
      %add3A_19 = arith.addi %and3A_13, %add3A_18 : vector<16xi32>
      %select_n3A = arith.select %lt3A_16, %add3A_19, %and3A_13 : vector<16xi1>, vector<16xi32>
      %broadcast_in_dim3A_20 = vector.shape_cast %select_n3A : vector<16xi32> to vector<16x1xi32>
      %gather3A = vector.shape_cast %broadcast_in_dim3A_20 : vector<16x1xi32> to vector<16xi32>
      %gather3A_21 = tpu.dynamic_gather %scan3A_7[%gather3A] in [0] : vector<16xf32>, vector<16xi32> -> vector<16xf32>
      %max3A = arith.maximumf %scan3A_7, %gather3A_21 : vector<16xf32>
      %iota3A_22 = tpu.iota {dimensions = array<i32: 0>} : vector<16xi32>
      %add3A_23 = arith.constant 4 : i32
      %add3A_24 = vector.broadcast %add3A_23 : i32 to vector<16xi32>
      %add3A_25 = arith.addi %iota3A_22, %add3A_24 : vector<16xi32>
      %and3A_26 = arith.constant 15 : i32
      %and3A_27 = vector.broadcast %and3A_26 : i32 to vector<16xi32>
      %and3A_28 = arith.andi %add3A_25, %and3A_27 : vector<16xi32>
      %lt3A_29 = arith.constant 0 : i32
      %lt3A_30 = vector.broadcast %lt3A_29 : i32 to vector<16xi32>
      %lt3A_31 = arith.cmpi slt, %and3A_28, %lt3A_30 : vector<16xi32>
      %add3A_32 = arith.constant 16 : i32
      %add3A_33 = vector.broadcast %add3A_32 : i32 to vector<16xi32>
      %add3A_34 = arith.addi %and3A_28, %add3A_33 : vector<16xi32>
      %select_n3A_35 = arith.select %lt3A_31, %add3A_34, %and3A_28 : vector<16xi1>, vector<16xi32>
      %broadcast_in_dim3A_36 = vector.shape_cast %select_n3A_35 : vector<16xi32> to vector<16x1xi32>
      %gather3A_37 = vector.shape_cast %broadcast_in_dim3A_36 : vector<16x1xi32> to vector<16xi32>
      %gather3A_38 = tpu.dynamic_gather %max3A[%gather3A_37] in [0] : vector<16xf32>, vector<16xi32> -> vector<16xf32>
      %max3A_39 = arith.maximumf %max3A, %gather3A_38 : vector<16xf32>
      %iota3A_40 = tpu.iota {dimensions = array<i32: 0>} : vector<16xi32>
      %add3A_41 = arith.constant 2 : i32
      %add3A_42 = vector.broadcast %add3A_41 : i32 to vector<16xi32>
      %add3A_43 = arith.addi %iota3A_40, %add3A_42 : vector<16xi32>
      %and3A_44 = arith.constant 15 : i32
      %and3A_45 = vector.broadcast %and3A_44 : i32 to vector<16xi32>
      %and3A_46 = arith.andi %add3A_43, %and3A_45 : vector<16xi32>
      %lt3A_47 = arith.constant 0 : i32
      %lt3A_48 = vector.broadcast %lt3A_47 : i32 to vector<16xi32>
      %lt3A_49 = arith.cmpi slt, %and3A_46, %lt3A_48 : vector<16xi32>
      %add3A_50 = arith.constant 16 : i32
      %add3A_51 = vector.broadcast %add3A_50 : i32 to vector<16xi32>
      %add3A_52 = arith.addi %and3A_46, %add3A_51 : vector<16xi32>
      %select_n3A_53 = arith.select %lt3A_49, %add3A_52, %and3A_46 : vector<16xi1>, vector<16xi32>
      %broadcast_in_dim3A_54 = vector.shape_cast %select_n3A_53 : vector<16xi32> to vector<16x1xi32>
      %gather3A_55 = vector.shape_cast %broadcast_in_dim3A_54 : vector<16x1xi32> to vector<16xi32>
      %gather3A_56 = tpu.dynamic_gather %max3A_39[%gather3A_55] in [0] : vector<16xf32>, vector<16xi32> -> vector<16xf32>
      %max3A_57 = arith.maximumf %max3A_39, %gather3A_56 : vector<16xf32>
      %iota3A_58 = tpu.iota {dimensions = array<i32: 0>} : vector<16xi32>
      %add3A_59 = arith.constant 1 : i32
      %add3A_60 = vector.broadcast %add3A_59 : i32 to vector<16xi32>
      %add3A_61 = arith.addi %iota3A_58, %add3A_60 : vector<16xi32>
      %and3A_62 = arith.constant 15 : i32
      %and3A_63 = vector.broadcast %and3A_62 : i32 to vector<16xi32>
      %and3A_64 = arith.andi %add3A_61, %and3A_63 : vector<16xi32>
      %lt3A_65 = arith.constant 0 : i32
      %lt3A_66 = vector.broadcast %lt3A_65 : i32 to vector<16xi32>
      %lt3A_67 = arith.cmpi slt, %and3A_64, %lt3A_66 : vector<16xi32>
      %add3A_68 = arith.constant 16 : i32
      %add3A_69 = vector.broadcast %add3A_68 : i32 to vector<16xi32>
      %add3A_70 = arith.addi %and3A_64, %add3A_69 : vector<16xi32>
      %select_n3A_71 = arith.select %lt3A_67, %add3A_70, %and3A_64 : vector<16xi1>, vector<16xi32>
      %broadcast_in_dim3A_72 = vector.shape_cast %select_n3A_71 : vector<16xi32> to vector<16x1xi32>
      %gather3A_73 = vector.shape_cast %broadcast_in_dim3A_72 : vector<16x1xi32> to vector<16xi32>
      %gather3A_74 = tpu.dynamic_gather %max3A_57[%gather3A_73] in [0] : vector<16xf32>, vector<16xi32> -> vector<16xf32>
      %max3A_75 = arith.maximumf %max3A_57, %gather3A_74 : vector<16xf32>
      %broadcast_in_dim3A_76 = arith.constant 0.000000e+00 : f32
      %broadcast_in_dim3A_77 = vector.broadcast %broadcast_in_dim3A_76 : f32 to vector<16xf32>
      %scan3A_78 = arith.constant 0 : i32
      %scan3A_79 = arith.constant 16 : i32
      %scan3A_80 = arith.addi %scan3A_78, %scan3A_79 : i32
      %scan3A_81 = arith.constant 1 : i32
      %scan3A_82 = scf.for %scan3A_290 = %scan3A_78 to %scan3A_80 step %scan3A_81 iter_args(%scan3A_291 = %broadcast_in_dim3A_77) -> (vector<16xf32>)  : i32 {
        %mul3A_292 = arith.constant 128 : i32
        %mul3A_293 = arith.muli %scan3A_290, %mul3A_292 : i32
        %add3A_294 = arith.constant 0 : i32
        %add3A_295 = arith.addi %mul3A_293, %add3A_294 : i32
        %get3A_296 = arith.index_cast %add3A_295 : i32 to index
        %get3A_297 = tpu.vector_load %arg4[%get3A_296] {strides = array<i32>} : memref<2176xf32, #tpu.memory_space<vmem>>, vector<16xf32>,
        %get3A_298 = vector.shape_cast %get3A_297 : vector<16xf32> to vector<16xf32>
        %sub3A_299 = arith.subf %get3A_298, %max3A_75 : vector<16xf32>
        %exp3A_300 = math.exp %sub3A_299 : vector<16xf32>
        %add3A_301 = arith.addf %scan3A_291, %exp3A_300 : vector<16xf32>
        %mul3A_302 = arith.constant 128 : i32
        %mul3A_303 = arith.muli %scan3A_290, %mul3A_302 : i32
        %add3A_304 = arith.constant 16 : i32
        %add3A_305 = arith.addi %mul3A_303, %add3A_304 : i32
        %get3A_306 = arith.index_cast %add3A_305 : i32 to index
        %get3A_307 = tpu.vector_load %arg4[%get3A_306] {strides = array<i32>} : memref<2176xf32, #tpu.memory_space<vmem>>, vector<16xf32>,
        %get3A_308 = vector.shape_cast %get3A_307 : vector<16xf32> to vector<16xf32>
        %sub3A_309 = arith.subf %get3A_308, %max3A_75 : vector<16xf32>
        %exp3A_310 = math.exp %sub3A_309 : vector<16xf32>
        %add3A_311 = arith.addf %add3A_301, %exp3A_310 : vector<16xf32>
        %mul3A_312 = arith.constant 128 : i32
        %mul3A_313 = arith.muli %scan3A_290, %mul3A_312 : i32
        %add3A_314 = arith.constant 32 : i32
        %add3A_315 = arith.addi %mul3A_313, %add3A_314 : i32
        %get3A_316 = arith.index_cast %add3A_315 : i32 to index
        %get3A_317 = tpu.vector_load %arg4[%get3A_316] {strides = array<i32>} : memref<2176xf32, #tpu.memory_space<vmem>>, vector<16xf32>,
        %get3A_318 = vector.shape_cast %get3A_317 : vector<16xf32> to vector<16xf32>
        %sub3A_319 = arith.subf %get3A_318, %max3A_75 : vector<16xf32>
        %exp3A_320 = math.exp %sub3A_319 : vector<16xf32>
        %add3A_321 = arith.addf %add3A_311, %exp3A_320 : vector<16xf32>
        %mul3A_322 = arith.constant 128 : i32
        %mul3A_323 = arith.muli %scan3A_290, %mul3A_322 : i32
        %add3A_324 = arith.constant 48 : i32
        %add3A_325 = arith.addi %mul3A_323, %add3A_324 : i32
        %get3A_326 = arith.index_cast %add3A_325 : i32 to index
        %get3A_327 = tpu.vector_load %arg4[%get3A_326] {strides = array<i32>} : memref<2176xf32, #tpu.memory_space<vmem>>, vector<16xf32>,
        %get3A_328 = vector.shape_cast %get3A_327 : vector<16xf32> to vector<16xf32>
        %sub3A_329 = arith.subf %get3A_328, %max3A_75 : vector<16xf32>
        %exp3A_330 = math.exp %sub3A_329 : vector<16xf32>
        %add3A_331 = arith.addf %add3A_321, %exp3A_330 : vector<16xf32>
        %mul3A_332 = arith.constant 128 : i32
        %mul3A_333 = arith.muli %scan3A_290, %mul3A_332 : i32
        %add3A_334 = arith.constant 64 : i32
        %add3A_335 = arith.addi %mul3A_333, %add3A_334 : i32
        %get3A_336 = arith.index_cast %add3A_335 : i32 to index
        %get3A_337 = tpu.vector_load %arg4[%get3A_336] {strides = array<i32>} : memref<2176xf32, #tpu.memory_space<vmem>>, vector<16xf32>,
        %get3A_338 = vector.shape_cast %get3A_337 : vector<16xf32> to vector<16xf32>
        %sub3A_339 = arith.subf %get3A_338, %max3A_75 : vector<16xf32>
        %exp3A_340 = math.exp %sub3A_339 : vector<16xf32>
        %add3A_341 = arith.addf %add3A_331, %exp3A_340 : vector<16xf32>
        %mul3A_342 = arith.constant 128 : i32
        %mul3A_343 = arith.muli %scan3A_290, %mul3A_342 : i32
        %add3A_344 = arith.constant 80 : i32
        %add3A_345 = arith.addi %mul3A_343, %add3A_344 : i32
        %get3A_346 = arith.index_cast %add3A_345 : i32 to index
        %get3A_347 = tpu.vector_load %arg4[%get3A_346] {strides = array<i32>} : memref<2176xf32, #tpu.memory_space<vmem>>, vector<16xf32>,
        %get3A_348 = vector.shape_cast %get3A_347 : vector<16xf32> to vector<16xf32>
        %sub3A_349 = arith.subf %get3A_348, %max3A_75 : vector<16xf32>
        %exp3A_350 = math.exp %sub3A_349 : vector<16xf32>
        %add3A_351 = arith.addf %add3A_341, %exp3A_350 : vector<16xf32>
        %mul3A_352 = arith.constant 128 : i32
        %mul3A_353 = arith.muli %scan3A_290, %mul3A_352 : i32
        %add3A_354 = arith.constant 96 : i32
        %add3A_355 = arith.addi %mul3A_353, %add3A_354 : i32
        %get3A_356 = arith.index_cast %add3A_355 : i32 to index
        %get3A_357 = tpu.vector_load %arg4[%get3A_356] {strides = array<i32>} : memref<2176xf32, #tpu.memory_space<vmem>>, vector<16xf32>,
        %get3A_358 = vector.shape_cast %get3A_357 : vector<16xf32> to vector<16xf32>
        %sub3A_359 = arith.subf %get3A_358, %max3A_75 : vector<16xf32>
        %exp3A_360 = math.exp %sub3A_359 : vector<16xf32>
        %add3A_361 = arith.addf %add3A_351, %exp3A_360 : vector<16xf32>
        %mul3A_362 = arith.constant 128 : i32
        %mul3A_363 = arith.muli %scan3A_290, %mul3A_362 : i32
        %add3A_364 = arith.constant 112 : i32
        %add3A_365 = arith.addi %mul3A_363, %add3A_364 : i32
        %get3A_366 = arith.index_cast %add3A_365 : i32 to index
        %get3A_367 = tpu.vector_load %arg4[%get3A_366] {strides = array<i32>} : memref<2176xf32, #tpu.memory_space<vmem>>, vector<16xf32>,
        %get3A_368 = vector.shape_cast %get3A_367 : vector<16xf32> to vector<16xf32>
        %sub3A_369 = arith.subf %get3A_368, %max3A_75 : vector<16xf32>
        %exp3A_370 = math.exp %sub3A_369 : vector<16xf32>
        %add3A_371 = arith.addf %add3A_361, %exp3A_370 : vector<16xf32>
        scf.yield %add3A_371 : vector<16xf32>
      }
      %scan3A_83 = arith.constant 16 : i32
      %iota3A_84 = tpu.iota {dimensions = array<i32: 0>} : vector<16xi32>
      %add3A_85 = arith.constant 8 : i32
      %add3A_86 = vector.broadcast %add3A_85 : i32 to vector<16xi32>
      %add3A_87 = arith.addi %iota3A_84, %add3A_86 : vector<16xi32>
      %and3A_88 = arith.constant 15 : i32
      %and3A_89 = vector.broadcast %and3A_88 : i32 to vector<16xi32>
      %and3A_90 = arith.andi %add3A_87, %and3A_89 : vector<16xi32>
      %lt3A_91 = arith.constant 0 : i32
      %lt3A_92 = vector.broadcast %lt3A_91 : i32 to vector<16xi32>
      %lt3A_93 = arith.cmpi slt, %and3A_90, %lt3A_92 : vector<16xi32>
      %add3A_94 = arith.constant 16 : i32
      %add3A_95 = vector.broadcast %add3A_94 : i32 to vector<16xi32>
      %add3A_96 = arith.addi %and3A_90, %add3A_95 : vector<16xi32>
      %select_n3A_97 = arith.select %lt3A_93, %add3A_96, %and3A_90 : vector<16xi1>, vector<16xi32>
      %broadcast_in_dim3A_98 = vector.shape_cast %select_n3A_97 : vector<16xi32> to vector<16x1xi32>
      %gather3A_99 = vector.shape_cast %broadcast_in_dim3A_98 : vector<16x1xi32> to vector<16xi32>
      %gather3A_100 = tpu.dynamic_gather %scan3A_82[%gather3A_99] in [0] : vector<16xf32>, vector<16xi32> -> vector<16xf32>
      %add3A_101 = arith.addf %scan3A_82, %gather3A_100 : vector<16xf32>
      %iota3A_102 = tpu.iota {dimensions = array<i32: 0>} : vector<16xi32>
      %add3A_103 = arith.constant 4 : i32
      %add3A_104 = vector.broadcast %add3A_103 : i32 to vector<16xi32>
      %add3A_105 = arith.addi %iota3A_102, %add3A_104 : vector<16xi32>
      %and3A_106 = arith.constant 15 : i32
      %and3A_107 = vector.broadcast %and3A_106 : i32 to vector<16xi32>
      %and3A_108 = arith.andi %add3A_105, %and3A_107 : vector<16xi32>
      %lt3A_109 = arith.constant 0 : i32
      %lt3A_110 = vector.broadcast %lt3A_109 : i32 to vector<16xi32>
      %lt3A_111 = arith.cmpi slt, %and3A_108, %lt3A_110 : vector<16xi32>
      %add3A_112 = arith.constant 16 : i32
      %add3A_113 = vector.broadcast %add3A_112 : i32 to vector<16xi32>
      %add3A_114 = arith.addi %and3A_108, %add3A_113 : vector<16xi32>
      %select_n3A_115 = arith.select %lt3A_111, %add3A_114, %and3A_108 : vector<16xi1>, vector<16xi32>
      %broadcast_in_dim3A_116 = vector.shape_cast %select_n3A_115 : vector<16xi32> to vector<16x1xi32>
      %gather3A_117 = vector.shape_cast %broadcast_in_dim3A_116 : vector<16x1xi32> to vector<16xi32>
      %gather3A_118 = tpu.dynamic_gather %add3A_101[%gather3A_117] in [0] : vector<16xf32>, vector<16xi32> -> vector<16xf32>
      %add3A_119 = arith.addf %add3A_101, %gather3A_118 : vector<16xf32>
      %iota3A_120 = tpu.iota {dimensions = array<i32: 0>} : vector<16xi32>
      %add3A_121 = arith.constant 2 : i32
      %add3A_122 = vector.broadcast %add3A_121 : i32 to vector<16xi32>
      %add3A_123 = arith.addi %iota3A_120, %add3A_122 : vector<16xi32>
      %and3A_124 = arith.constant 15 : i32
      %and3A_125 = vector.broadcast %and3A_124 : i32 to vector<16xi32>
      %and3A_126 = arith.andi %add3A_123, %and3A_125 : vector<16xi32>
      %lt3A_127 = arith.constant 0 : i32
      %lt3A_128 = vector.broadcast %lt3A_127 : i32 to vector<16xi32>
      %lt3A_129 = arith.cmpi slt, %and3A_126, %lt3A_128 : vector<16xi32>
      %add3A_130 = arith.constant 16 : i32
      %add3A_131 = vector.broadcast %add3A_130 : i32 to vector<16xi32>
      %add3A_132 = arith.addi %and3A_126, %add3A_131 : vector<16xi32>
      %select_n3A_133 = arith.select %lt3A_129, %add3A_132, %and3A_126 : vector<16xi1>, vector<16xi32>
      %broadcast_in_dim3A_134 = vector.shape_cast %select_n3A_133 : vector<16xi32> to vector<16x1xi32>
      %gather3A_135 = vector.shape_cast %broadcast_in_dim3A_134 : vector<16x1xi32> to vector<16xi32>
      %gather3A_136 = tpu.dynamic_gather %add3A_119[%gather3A_135] in [0] : vector<16xf32>, vector<16xi32> -> vector<16xf32>
      %add3A_137 = arith.addf %add3A_119, %gather3A_136 : vector<16xf32>
      %iota3A_138 = tpu.iota {dimensions = array<i32: 0>} : vector<16xi32>
      %add3A_139 = arith.constant 1 : i32
      %add3A_140 = vector.broadcast %add3A_139 : i32 to vector<16xi32>
      %add3A_141 = arith.addi %iota3A_138, %add3A_140 : vector<16xi32>
      %and3A_142 = arith.constant 15 : i32
      %and3A_143 = vector.broadcast %and3A_142 : i32 to vector<16xi32>
      %and3A_144 = arith.andi %add3A_141, %and3A_143 : vector<16xi32>
      %lt3A_145 = arith.constant 0 : i32
      %lt3A_146 = vector.broadcast %lt3A_145 : i32 to vector<16xi32>
      %lt3A_147 = arith.cmpi slt, %and3A_144, %lt3A_146 : vector<16xi32>
      %add3A_148 = arith.constant 16 : i32
      %add3A_149 = vector.broadcast %add3A_148 : i32 to vector<16xi32>
      %add3A_150 = arith.addi %and3A_144, %add3A_149 : vector<16xi32>
      %select_n3A_151 = arith.select %lt3A_147, %add3A_150, %and3A_144 : vector<16xi1>, vector<16xi32>
      %broadcast_in_dim3A_152 = vector.shape_cast %select_n3A_151 : vector<16xi32> to vector<16x1xi32>
      %gather3A_153 = vector.shape_cast %broadcast_in_dim3A_152 : vector<16x1xi32> to vector<16xi32>
      %gather3A_154 = tpu.dynamic_gather %add3A_137[%gather3A_153] in [0] : vector<16xf32>, vector<16xi32> -> vector<16xf32>
      %add3A_155 = arith.addf %add3A_137, %gather3A_154 : vector<16xf32>
      %bitcast_convert_type3A = tpu.bitcast %add3A_155 : vector<16xf32> -> vector<16xi32>
      %shift_right_arithmetic3A = arith.constant 23 : i32
      %shift_right_arithmetic3A_156 = vector.broadcast %shift_right_arithmetic3A : i32 to vector<16xi32>
      %shift_right_arithmetic3A_157 = arith.shrsi %bitcast_convert_type3A, %shift_right_arithmetic3A_156 : vector<16xi32>
      %sub3A = arith.constant 127 : i32
      %sub3A_158 = vector.broadcast %sub3A : i32 to vector<16xi32>
      %sub3A_159 = arith.subi %shift_right_arithmetic3A_157, %sub3A_158 : vector<16xi32>
      %convert_element_type3A_160 = arith.sitofp %sub3A_159 : vector<16xi32> to vector<16xf32>
      %mul3A_161 = arith.constant 0.693147182 : f32
      %mul3A_162 = vector.broadcast %mul3A_161 : f32 to vector<16xf32>
      %mul3A_163 = arith.mulf %convert_element_type3A_160, %mul3A_162 : vector<16xf32>
      %add3A_164 = arith.constant 3.466000e-01 : f32
      %add3A_165 = vector.broadcast %add3A_164 : f32 to vector<16xf32>
      %add3A_166 = arith.addf %mul3A_163, %add3A_165 : vector<16xf32>
      %sub3A_167 = arith.constant 1.000000e+00 : f32
      %sub3A_168 = vector.broadcast %sub3A_167 : f32 to vector<16xf32>
      %sub3A_169 = arith.subf %add3A_166, %sub3A_168 : vector<16xf32>
      %neg3A = arith.constant 0.000000e+00 : f32
      %neg3A_170 = vector.broadcast %neg3A : f32 to vector<16xf32>
      %neg3A_171 = arith.subf %neg3A_170, %add3A_166 : vector<16xf32>
      %exp3A = math.exp %neg3A_171 : vector<16xf32>
      %mul3A_172 = arith.mulf %add3A_155, %exp3A : vector<16xf32>
      %add3A_173 = arith.addf %sub3A_169, %mul3A_172 : vector<16xf32>
      %sub3A_174 = arith.constant 1.000000e+00 : f32
      %sub3A_175 = vector.broadcast %sub3A_174 : f32 to vector<16xf32>
      %sub3A_176 = arith.subf %add3A_173, %sub3A_175 : vector<16xf32>
      %neg3A_177 = arith.constant 0.000000e+00 : f32
      %neg3A_178 = vector.broadcast %neg3A_177 : f32 to vector<16xf32>
      %neg3A_179 = arith.subf %neg3A_178, %add3A_173 : vector<16xf32>
      %exp3A_180 = math.exp %neg3A_179 : vector<16xf32>
      %mul3A_181 = arith.mulf %add3A_155, %exp3A_180 : vector<16xf32>
      %add3A_182 = arith.addf %sub3A_176, %mul3A_181 : vector<16xf32>
      %sub3A_183 = arith.constant 1.000000e+00 : f32
      %sub3A_184 = vector.broadcast %sub3A_183 : f32 to vector<16xf32>
      %sub3A_185 = arith.subf %add3A_182, %sub3A_184 : vector<16xf32>
      %neg3A_186 = arith.constant 0.000000e+00 : f32
      %neg3A_187 = vector.broadcast %neg3A_186 : f32 to vector<16xf32>
      %neg3A_188 = arith.subf %neg3A_187, %add3A_182 : vector<16xf32>
      %exp3A_189 = math.exp %neg3A_188 : vector<16xf32>
      %mul3A_190 = arith.mulf %add3A_155, %exp3A_189 : vector<16xf32>
      %add3A_191 = arith.addf %sub3A_185, %mul3A_190 : vector<16xf32>
      %add3A_192 = arith.addf %add3A_191, %max3A_75 : vector<16xf32>
      %get3A = arith.constant 2048 : index
      %get3A_193 = tpu.vector_load %arg4[%get3A] {strides = array<i32>} : memref<2176xf32, #tpu.memory_space<vmem>>, vector<16xf32>,
      %get3A_194 = vector.shape_cast %get3A_193 : vector<16xf32> to vector<16xf32>
      %broadcast_in_dim3A_195 = arith.constant 0 : i32
      %broadcast_in_dim3A_196 = vector.broadcast %broadcast_in_dim3A_195 : i32 to vector<16xi32>
      %add3A_197 = arith.constant 0 : i32
      %add3A_198 = vector.broadcast %add3A_197 : i32 to vector<16xi32>
      %add3A_199 = arith.addi %broadcast_in_dim3A_196, %add3A_198 : vector<16xi32>
      %lt3A_200 = arith.constant 0 : i32
      %lt3A_201 = vector.broadcast %lt3A_200 : i32 to vector<16xi32>
      %lt3A_202 = arith.cmpi slt, %add3A_199, %lt3A_201 : vector<16xi32>
      %add3A_203 = arith.constant 16 : i32
      %add3A_204 = vector.broadcast %add3A_203 : i32 to vector<16xi32>
      %add3A_205 = arith.addi %add3A_199, %add3A_204 : vector<16xi32>
      %select_n3A_206 = arith.select %lt3A_202, %add3A_205, %add3A_199 : vector<16xi1>, vector<16xi32>
      %broadcast_in_dim3A_207 = vector.shape_cast %select_n3A_206 : vector<16xi32> to vector<16x1xi32>
      %gather3A_208 = vector.shape_cast %broadcast_in_dim3A_207 : vector<16x1xi32> to vector<16xi32>
      %gather3A_209 = tpu.dynamic_gather %get3A_194[%gather3A_208] in [0] : vector<16xf32>, vector<16xi32> -> vector<16xf32>
      %broadcast_in_dim3A_210 = arith.constant 0 : i32
      %broadcast_in_dim3A_211 = vector.broadcast %broadcast_in_dim3A_210 : i32 to vector<16xi32>
      %add3A_212 = arith.constant 1 : i32
      %add3A_213 = vector.broadcast %add3A_212 : i32 to vector<16xi32>
      %add3A_214 = arith.addi %broadcast_in_dim3A_211, %add3A_213 : vector<16xi32>
      %lt3A_215 = arith.constant 0 : i32
      %lt3A_216 = vector.broadcast %lt3A_215 : i32 to vector<16xi32>
      %lt3A_217 = arith.cmpi slt, %add3A_214, %lt3A_216 : vector<16xi32>
      %add3A_218 = arith.constant 16 : i32
      %add3A_219 = vector.broadcast %add3A_218 : i32 to vector<16xi32>
      %add3A_220 = arith.addi %add3A_214, %add3A_219 : vector<16xi32>
      %select_n3A_221 = arith.select %lt3A_217, %add3A_220, %add3A_214 : vector<16xi1>, vector<16xi32>
      %broadcast_in_dim3A_222 = vector.shape_cast %select_n3A_221 : vector<16xi32> to vector<16x1xi32>
      %gather3A_223 = vector.shape_cast %broadcast_in_dim3A_222 : vector<16x1xi32> to vector<16xi32>
      %gather3A_224 = tpu.dynamic_gather %get3A_194[%gather3A_223] in [0] : vector<16xf32>, vector<16xi32> -> vector<16xf32>
      %max3A_225 = arith.maximumf %gather3A_209, %gather3A_224 : vector<16xf32>
      %sub3A_226 = arith.subf %gather3A_209, %max3A_225 : vector<16xf32>
      %exp3A_227 = math.exp %sub3A_226 : vector<16xf32>
      %sub3A_228 = arith.subf %gather3A_224, %max3A_225 : vector<16xf32>
      %exp3A_229 = math.exp %sub3A_228 : vector<16xf32>
      %add3A_230 = arith.addf %exp3A_227, %exp3A_229 : vector<16xf32>
      %bitcast_convert_type3A_231 = tpu.bitcast %add3A_230 : vector<16xf32> -> vector<16xi32>
      %shift_right_arithmetic3A_232 = arith.constant 23 : i32
      %shift_right_arithmetic3A_233 = vector.broadcast %shift_right_arithmetic3A_232 : i32 to vector<16xi32>
      %shift_right_arithmetic3A_234 = arith.shrsi %bitcast_convert_type3A_231, %shift_right_arithmetic3A_233 : vector<16xi32>
      %sub3A_235 = arith.constant 127 : i32
      %sub3A_236 = vector.broadcast %sub3A_235 : i32 to vector<16xi32>
      %sub3A_237 = arith.subi %shift_right_arithmetic3A_234, %sub3A_236 : vector<16xi32>
      %convert_element_type3A_238 = arith.sitofp %sub3A_237 : vector<16xi32> to vector<16xf32>
      %mul3A_239 = arith.constant 0.693147182 : f32
      %mul3A_240 = vector.broadcast %mul3A_239 : f32 to vector<16xf32>
      %mul3A_241 = arith.mulf %convert_element_type3A_238, %mul3A_240 : vector<16xf32>
      %add3A_242 = arith.constant 3.466000e-01 : f32
      %add3A_243 = vector.broadcast %add3A_242 : f32 to vector<16xf32>
      %add3A_244 = arith.addf %mul3A_241, %add3A_243 : vector<16xf32>
      %sub3A_245 = arith.constant 1.000000e+00 : f32
      %sub3A_246 = vector.broadcast %sub3A_245 : f32 to vector<16xf32>
      %sub3A_247 = arith.subf %add3A_244, %sub3A_246 : vector<16xf32>
      %neg3A_248 = arith.constant 0.000000e+00 : f32
      %neg3A_249 = vector.broadcast %neg3A_248 : f32 to vector<16xf32>
      %neg3A_250 = arith.subf %neg3A_249, %add3A_244 : vector<16xf32>
      %exp3A_251 = math.exp %neg3A_250 : vector<16xf32>
      %mul3A_252 = arith.mulf %add3A_230, %exp3A_251 : vector<16xf32>
      %add3A_253 = arith.addf %sub3A_247, %mul3A_252 : vector<16xf32>
      %sub3A_254 = arith.constant 1.000000e+00 : f32
      %sub3A_255 = vector.broadcast %sub3A_254 : f32 to vector<16xf32>
      %sub3A_256 = arith.subf %add3A_253, %sub3A_255 : vector<16xf32>
      %neg3A_257 = arith.constant 0.000000e+00 : f32
      %neg3A_258 = vector.broadcast %neg3A_257 : f32 to vector<16xf32>
      %neg3A_259 = arith.subf %neg3A_258, %add3A_253 : vector<16xf32>
      %exp3A_260 = math.exp %neg3A_259 : vector<16xf32>
      %mul3A_261 = arith.mulf %add3A_230, %exp3A_260 : vector<16xf32>
      %add3A_262 = arith.addf %sub3A_256, %mul3A_261 : vector<16xf32>
      %sub3A_263 = arith.constant 1.000000e+00 : f32
      %sub3A_264 = vector.broadcast %sub3A_263 : f32 to vector<16xf32>
      %sub3A_265 = arith.subf %add3A_262, %sub3A_264 : vector<16xf32>
      %neg3A_266 = arith.constant 0.000000e+00 : f32
      %neg3A_267 = vector.broadcast %neg3A_266 : f32 to vector<16xf32>
      %neg3A_268 = arith.subf %neg3A_267, %add3A_262 : vector<16xf32>
      %exp3A_269 = math.exp %neg3A_268 : vector<16xf32>
      %mul3A_270 = arith.mulf %add3A_230, %exp3A_269 : vector<16xf32>
      %add3A_271 = arith.addf %sub3A_265, %mul3A_270 : vector<16xf32>
      %add3A_272 = arith.addf %add3A_271, %max3A_225 : vector<16xf32>
      %sub3A_273 = arith.subf %gather3A_209, %add3A_272 : vector<16xf32>
      %sub3A_274 = arith.subf %sub3A_273, %add3A_192 : vector<16xf32>
      %scan3A_275 = arith.constant 0 : i32
      %scan3A_276 = arith.constant 0 : i32
      %scan3A_277 = arith.constant 16 : i32
      %scan3A_278 = arith.addi %scan3A_276, %scan3A_277 : i32
      %scan3A_279 = arith.constant 1 : i32
      scf.for %scan3A_290 = %scan3A_276 to %scan3A_278 step %scan3A_279  : i32 {
        %mul3A_291 = arith.constant 128 : i32
        %mul3A_292 = arith.muli %scan3A_290, %mul3A_291 : i32
        %add3A_293 = arith.constant 0 : i32
        %add3A_294 = arith.addi %mul3A_292, %add3A_293 : i32
        %get3A_295 = arith.index_cast %add3A_294 : i32 to index
        %get3A_296 = tpu.vector_load %arg4[%get3A_295] {strides = array<i32>} : memref<2176xf32, #tpu.memory_space<vmem>>, vector<16xf32>,
        %get3A_297 = vector.shape_cast %get3A_296 : vector<16xf32> to vector<16xf32>
        %add3A_298 = arith.addf %get3A_297, %sub3A_274 : vector<16xf32>
        %swap3A_299 = arith.index_cast %add3A_294 : i32 to index
        %swap3A_300 = tpu.vector_load %arg5[%swap3A_299] {strides = array<i32>} : memref<2064xf32, #tpu.memory_space<vmem>>, vector<16xf32>,
        %swap3A_301 = vector.shape_cast %swap3A_300 : vector<16xf32> to vector<16xf32>
        %swap3A_302 = vector.shape_cast %add3A_298 : vector<16xf32> to vector<16xf32>
        tpu.vector_store %arg5[%swap3A_299], %swap3A_302 {strides = array<i32>} : memref<2064xf32, #tpu.memory_space<vmem>>, vector<16xf32>,
        %mul3A_303 = arith.constant 128 : i32
        %mul3A_304 = arith.muli %scan3A_290, %mul3A_303 : i32
        %add3A_305 = arith.constant 16 : i32
        %add3A_306 = arith.addi %mul3A_304, %add3A_305 : i32
        %get3A_307 = arith.index_cast %add3A_306 : i32 to index
        %get3A_308 = tpu.vector_load %arg4[%get3A_307] {strides = array<i32>} : memref<2176xf32, #tpu.memory_space<vmem>>, vector<16xf32>,
        %get3A_309 = vector.shape_cast %get3A_308 : vector<16xf32> to vector<16xf32>
        %add3A_310 = arith.addf %get3A_309, %sub3A_274 : vector<16xf32>
        %swap3A_311 = arith.index_cast %add3A_306 : i32 to index
        %swap3A_312 = tpu.vector_load %arg5[%swap3A_311] {strides = array<i32>} : memref<2064xf32, #tpu.memory_space<vmem>>, vector<16xf32>,
        %swap3A_313 = vector.shape_cast %swap3A_312 : vector<16xf32> to vector<16xf32>
        %swap3A_314 = vector.shape_cast %add3A_310 : vector<16xf32> to vector<16xf32>
        tpu.vector_store %arg5[%swap3A_311], %swap3A_314 {strides = array<i32>} : memref<2064xf32, #tpu.memory_space<vmem>>, vector<16xf32>,
        %mul3A_315 = arith.constant 128 : i32
        %mul3A_316 = arith.muli %scan3A_290, %mul3A_315 : i32
        %add3A_317 = arith.constant 32 : i32
        %add3A_318 = arith.addi %mul3A_316, %add3A_317 : i32
        %get3A_319 = arith.index_cast %add3A_318 : i32 to index
        %get3A_320 = tpu.vector_load %arg4[%get3A_319] {strides = array<i32>} : memref<2176xf32, #tpu.memory_space<vmem>>, vector<16xf32>,
        %get3A_321 = vector.shape_cast %get3A_320 : vector<16xf32> to vector<16xf32>
        %add3A_322 = arith.addf %get3A_321, %sub3A_274 : vector<16xf32>
        %swap3A_323 = arith.index_cast %add3A_318 : i32 to index
        %swap3A_324 = tpu.vector_load %arg5[%swap3A_323] {strides = array<i32>} : memref<2064xf32, #tpu.memory_space<vmem>>, vector<16xf32>,
        %swap3A_325 = vector.shape_cast %swap3A_324 : vector<16xf32> to vector<16xf32>
        %swap3A_326 = vector.shape_cast %add3A_322 : vector<16xf32> to vector<16xf32>
        tpu.vector_store %arg5[%swap3A_323], %swap3A_326 {strides = array<i32>} : memref<2064xf32, #tpu.memory_space<vmem>>, vector<16xf32>,
        %mul3A_327 = arith.constant 128 : i32
        %mul3A_328 = arith.muli %scan3A_290, %mul3A_327 : i32
        %add3A_329 = arith.constant 48 : i32
        %add3A_330 = arith.addi %mul3A_328, %add3A_329 : i32
        %get3A_331 = arith.index_cast %add3A_330 : i32 to index
        %get3A_332 = tpu.vector_load %arg4[%get3A_331] {strides = array<i32>} : memref<2176xf32, #tpu.memory_space<vmem>>, vector<16xf32>,
        %get3A_333 = vector.shape_cast %get3A_332 : vector<16xf32> to vector<16xf32>
        %add3A_334 = arith.addf %get3A_333, %sub3A_274 : vector<16xf32>
        %swap3A_335 = arith.index_cast %add3A_330 : i32 to index
        %swap3A_336 = tpu.vector_load %arg5[%swap3A_335] {strides = array<i32>} : memref<2064xf32, #tpu.memory_space<vmem>>, vector<16xf32>,
        %swap3A_337 = vector.shape_cast %swap3A_336 : vector<16xf32> to vector<16xf32>
        %swap3A_338 = vector.shape_cast %add3A_334 : vector<16xf32> to vector<16xf32>
        tpu.vector_store %arg5[%swap3A_335], %swap3A_338 {strides = array<i32>} : memref<2064xf32, #tpu.memory_space<vmem>>, vector<16xf32>,
        %mul3A_339 = arith.constant 128 : i32
        %mul3A_340 = arith.muli %scan3A_290, %mul3A_339 : i32
        %add3A_341 = arith.constant 64 : i32
        %add3A_342 = arith.addi %mul3A_340, %add3A_341 : i32
        %get3A_343 = arith.index_cast %add3A_342 : i32 to index
        %get3A_344 = tpu.vector_load %arg4[%get3A_343] {strides = array<i32>} : memref<2176xf32, #tpu.memory_space<vmem>>, vector<16xf32>,
        %get3A_345 = vector.shape_cast %get3A_344 : vector<16xf32> to vector<16xf32>
        %add3A_346 = arith.addf %get3A_345, %sub3A_274 : vector<16xf32>
        %swap3A_347 = arith.index_cast %add3A_342 : i32 to index
        %swap3A_348 = tpu.vector_load %arg5[%swap3A_347] {strides = array<i32>} : memref<2064xf32, #tpu.memory_space<vmem>>, vector<16xf32>,
        %swap3A_349 = vector.shape_cast %swap3A_348 : vector<16xf32> to vector<16xf32>
        %swap3A_350 = vector.shape_cast %add3A_346 : vector<16xf32> to vector<16xf32>
        tpu.vector_store %arg5[%swap3A_347], %swap3A_350 {strides = array<i32>} : memref<2064xf32, #tpu.memory_space<vmem>>, vector<16xf32>,
        %mul3A_351 = arith.constant 128 : i32
        %mul3A_352 = arith.muli %scan3A_290, %mul3A_351 : i32
        %add3A_353 = arith.constant 80 : i32
        %add3A_354 = arith.addi %mul3A_352, %add3A_353 : i32
        %get3A_355 = arith.index_cast %add3A_354 : i32 to index
        %get3A_356 = tpu.vector_load %arg4[%get3A_355] {strides = array<i32>} : memref<2176xf32, #tpu.memory_space<vmem>>, vector<16xf32>,
        %get3A_357 = vector.shape_cast %get3A_356 : vector<16xf32> to vector<16xf32>
        %add3A_358 = arith.addf %get3A_357, %sub3A_274 : vector<16xf32>
        %swap3A_359 = arith.index_cast %add3A_354 : i32 to index
        %swap3A_360 = tpu.vector_load %arg5[%swap3A_359] {strides = array<i32>} : memref<2064xf32, #tpu.memory_space<vmem>>, vector<16xf32>,
        %swap3A_361 = vector.shape_cast %swap3A_360 : vector<16xf32> to vector<16xf32>
        %swap3A_362 = vector.shape_cast %add3A_358 : vector<16xf32> to vector<16xf32>
        tpu.vector_store %arg5[%swap3A_359], %swap3A_362 {strides = array<i32>} : memref<2064xf32, #tpu.memory_space<vmem>>, vector<16xf32>,
        %mul3A_363 = arith.constant 128 : i32
        %mul3A_364 = arith.muli %scan3A_290, %mul3A_363 : i32
        %add3A_365 = arith.constant 96 : i32
        %add3A_366 = arith.addi %mul3A_364, %add3A_365 : i32
        %get3A_367 = arith.index_cast %add3A_366 : i32 to index
        %get3A_368 = tpu.vector_load %arg4[%get3A_367] {strides = array<i32>} : memref<2176xf32, #tpu.memory_space<vmem>>, vector<16xf32>,
        %get3A_369 = vector.shape_cast %get3A_368 : vector<16xf32> to vector<16xf32>
        %add3A_370 = arith.addf %get3A_369, %sub3A_274 : vector<16xf32>
        %swap3A_371 = arith.index_cast %add3A_366 : i32 to index
        %swap3A_372 = tpu.vector_load %arg5[%swap3A_371] {strides = array<i32>} : memref<2064xf32, #tpu.memory_space<vmem>>, vector<16xf32>,
        %swap3A_373 = vector.shape_cast %swap3A_372 : vector<16xf32> to vector<16xf32>
        %swap3A_374 = vector.shape_cast %add3A_370 : vector<16xf32> to vector<16xf32>
        tpu.vector_store %arg5[%swap3A_371], %swap3A_374 {strides = array<i32>} : memref<2064xf32, #tpu.memory_space<vmem>>, vector<16xf32>,
        %mul3A_375 = arith.constant 128 : i32
        %mul3A_376 = arith.muli %scan3A_290, %mul3A_375 : i32
        %add3A_377 = arith.constant 112 : i32
        %add3A_378 = arith.addi %mul3A_376, %add3A_377 : i32
        %get3A_379 = arith.index_cast %add3A_378 : i32 to index
        %get3A_380 = tpu.vector_load %arg4[%get3A_379] {strides = array<i32>} : memref<2176xf32, #tpu.memory_space<vmem>>, vector<16xf32>,
        %get3A_381 = vector.shape_cast %get3A_380 : vector<16xf32> to vector<16xf32>
        %add3A_382 = arith.addf %get3A_381, %sub3A_274 : vector<16xf32>
        %swap3A_383 = arith.index_cast %add3A_378 : i32 to index
        %swap3A_384 = tpu.vector_load %arg5[%swap3A_383] {strides = array<i32>} : memref<2064xf32, #tpu.memory_space<vmem>>, vector<16xf32>,
        %swap3A_385 = vector.shape_cast %swap3A_384 : vector<16xf32> to vector<16xf32>
        %swap3A_386 = vector.shape_cast %add3A_382 : vector<16xf32> to vector<16xf32>
        tpu.vector_store %arg5[%swap3A_383], %swap3A_386 {strides = array<i32>} : memref<2064xf32, #tpu.memory_space<vmem>>, vector<16xf32>,
      }
      %scan3A_280 = arith.constant 16 : i32
      %iota3A_281 = tpu.iota {dimensions = array<i32: 0>} : vector<16xi32>
      %eq3A = arith.constant 0 : i32
      %eq3A_282 = vector.broadcast %eq3A : i32 to vector<16xi32>
      %eq3A_283 = arith.cmpi eq, %iota3A_281, %eq3A_282 : vector<16xi32>
      %sub3A_284 = arith.subf %gather3A_224, %add3A_272 : vector<16xf32>
      %jit3A = arith.constant 0.000000e+00 : f32
      %broadcast_in_dim3A_285 = vector.broadcast %jit3A : f32 to vector<16xf32>
      %select_n3A_286 = arith.select %eq3A_283, %sub3A_284, %broadcast_in_dim3A_285 : vector<16xi1>, vector<16xf32>
      %swap3A = arith.constant 2048 : index
      %swap3A_287 = tpu.vector_load %arg5[%swap3A] {strides = array<i32>} : memref<2064xf32, #tpu.memory_space<vmem>>, vector<16xf32>,
      %swap3A_288 = vector.shape_cast %swap3A_287 : vector<16xf32> to vector<16xf32>
      %swap3A_289 = vector.shape_cast %select_n3A_286 : vector<16xf32> to vector<16xf32>
      tpu.vector_store %arg5[%swap3A], %swap3A_289 {strides = array<i32>} : memref<2064xf32, #tpu.memory_space<vmem>>, vector<16xf32>,
      "tpu.region"() ({
        %run_scoped3A = tpu.sem_alloc : memref<!tpu.dma_semaphore, #tpu.memory_space<semaphore_mem>>
        %dma_start3A = arith.constant 0 : i32
        %dma_start3A_290 = tpu.memref_slice %arg3[%add3A, %dma_start3A] : memref<16x2064xf32, #tpu.memory_space<hbm>> -> memref<1x2064xf32, #tpu.memory_space<hbm>>
        %dma_start3A_291 = tpu.memref_squeeze %dma_start3A_290 : memref<1x2064xf32, #tpu.memory_space<hbm>> -> memref<2064xf32, #tpu.memory_space<hbm>>
        %dma_start3A_292 = arith.constant 0 : i32
        %dma_start3A_293 = tpu.memref_slice %arg3[%add3A, %dma_start3A_292] : memref<16x2064xf32, #tpu.memory_space<hbm>> -> memref<1x2064xf32, #tpu.memory_space<hbm>>
        %dma_start3A_294 = tpu.memref_squeeze %dma_start3A_293 : memref<1x2064xf32, #tpu.memory_space<hbm>> -> memref<2064xf32, #tpu.memory_space<hbm>>
        tpu.enqueue_dma source(%arg5 : memref<2064xf32, #tpu.memory_space<vmem>>) target(%dma_start3A_294 : memref<2064xf32, #tpu.memory_space<hbm>>) target_semaphore(%run_scoped3A : memref<!tpu.dma_semaphore, #tpu.memory_space<semaphore_mem>>)
        %dma_wait3A = arith.constant 0 : i32
        %dma_wait3A_295 = tpu.memref_slice %arg3[%add3A, %dma_wait3A] : memref<16x2064xf32, #tpu.memory_space<hbm>> -> memref<1x2064xf32, #tpu.memory_space<hbm>>
        %dma_wait3A_296 = tpu.memref_squeeze %dma_wait3A_295 : memref<1x2064xf32, #tpu.memory_space<hbm>> -> memref<2064xf32, #tpu.memory_space<hbm>>
        %dma_wait3A_297 = arith.constant 0 : i32
        %dma_wait3A_298 = tpu.memref_slice %arg3[%add3A, %dma_wait3A_297] : memref<16x2064xf32, #tpu.memory_space<hbm>> -> memref<1x2064xf32, #tpu.memory_space<hbm>>
        %dma_wait3A_299 = tpu.memref_squeeze %dma_wait3A_298 : memref<1x2064xf32, #tpu.memory_space<hbm>> -> memref<2064xf32, #tpu.memory_space<hbm>>
        tpu.wait_dma2 semaphore(%run_scoped3A : memref<!tpu.dma_semaphore, #tpu.memory_space<semaphore_mem>>) src(%arg5 : memref<2064xf32, #tpu.memory_space<vmem>>) dst(%dma_wait3A_299 : memref<2064xf32, #tpu.memory_space<hbm>>)
        tpu.yield
      }) : () -> ()
    } else {
    }
    return
  }
}

module attributes {stable_mosaic.version = 14 : i64} {
  func.func @_tc_body(%arg0: i32, %arg1: memref<1x1x32768xf32, #tpu.memory_space<vmem>>, %arg2: memref<1x1x32768xf32, #tpu.memory_space<vmem>>, %arg3: memref<128x1xf32, #tpu.memory_space<vmem>>, %arg4: memref<128x1xf32, #tpu.memory_space<vmem>>, %arg5: memref<128x128xf32, #tpu.memory_space<vmem>>, %arg6: memref<128x1xf32, #tpu.memory_space<vmem>>, %arg7: memref<128x128xf32, #tpu.memory_space<vmem>>, %arg8: memref<128x1xf32, #tpu.memory_space<vmem>>, %arg9: memref<1x128xf32, #tpu.memory_space<vmem>>, %arg10: memref<2x128xf32, #tpu.memory_space<vmem>>, %arg11: memref<16x2176xf32, #tpu.memory_space<vmem>>) attributes {dimension_semantics = [#tpu.dimension_semantics<arbitrary>], iteration_bounds = array<i64: 1>, scalar_prefetch = 0 : i64, scratch_operands = 0 : i64, tpu.core_type = #tpu.core_type<tc>, window_params = [{transform_indices = @transform_0, window_bounds = array<i64: 1, 1, 32768>}, {transform_indices = @transform_1, window_bounds = array<i64: 1, 1, 32768>}, {pipeline_mode = #tpu.pipeline_mode<synchronous>, transform_indices = @transform_2, window_bounds = array<i64: 128, 1>}, {pipeline_mode = #tpu.pipeline_mode<synchronous>, transform_indices = @transform_3, window_bounds = array<i64: 128, 1>}, {pipeline_mode = #tpu.pipeline_mode<synchronous>, transform_indices = @transform_4, window_bounds = array<i64: 128, 128>}, {pipeline_mode = #tpu.pipeline_mode<synchronous>, transform_indices = @transform_5, window_bounds = array<i64: 128, 1>}, {pipeline_mode = #tpu.pipeline_mode<synchronous>, transform_indices = @transform_6, window_bounds = array<i64: 128, 128>}, {pipeline_mode = #tpu.pipeline_mode<synchronous>, transform_indices = @transform_7, window_bounds = array<i64: 128, 1>}, {pipeline_mode = #tpu.pipeline_mode<synchronous>, transform_indices = @transform_8, window_bounds = array<i64: 1, 128>}, {pipeline_mode = #tpu.pipeline_mode<synchronous>, transform_indices = @transform_9, window_bounds = array<i64: 2, 128>}, {pipeline_mode = #tpu.pipeline_mode<synchronous>, transform_indices = @transform_10, window_bounds = array<i64: 16, 2176>}]} {
    %broadcast_in_dim3A = arith.constant 1.000000e+00 : f32
    %broadcast_in_dim3A_0 = vector.broadcast %broadcast_in_dim3A : f32 to vector<1x32768xf32>
    %get3A = arith.constant 0 : index
    %get3A_1 = arith.constant 0 : index
    %get3A_2 = arith.constant 0 : index
    %get3A_3 = vector.load %arg1[%get3A, %get3A_1, %get3A_2] : memref<1x1x32768xf32, #tpu.memory_space<vmem>>, vector<1x1x32768xf32>
    %get3A_4 = vector.shape_cast %get3A_3 : vector<1x1x32768xf32> to vector<1x32768xf32>
    %get3A_5 = arith.constant 0 : index
    %get3A_6 = arith.constant 0 : index
    %get3A_7 = arith.constant 0 : index
    %get3A_8 = vector.load %arg2[%get3A_5, %get3A_6, %get3A_7] : memref<1x1x32768xf32, #tpu.memory_space<vmem>>, vector<1x1x32768xf32>
    %get3A_9 = vector.shape_cast %get3A_8 : vector<1x1x32768xf32> to vector<1x32768xf32>
    %concatenate3A = tpu.concatenate %get3A_4, %get3A_9, %broadcast_in_dim3A_0 in 0 : vector<1x32768xf32>, vector<1x32768xf32>, vector<1x32768xf32> -> vector<3x32768xf32>
    %get3A_10 = arith.constant 0 : index
    %get3A_11 = arith.constant 0 : index
    %get3A_12 = vector.load %arg3[%get3A_10, %get3A_11] : memref<128x1xf32, #tpu.memory_space<vmem>>, vector<128x1xf32>
    %get3A_13 = arith.constant 0 : index
    %get3A_14 = arith.constant 0 : index
    %get3A_15 = vector.load %arg4[%get3A_13, %get3A_14] : memref<128x1xf32, #tpu.memory_space<vmem>>, vector<128x1xf32>
    %concatenate3A_16 = tpu.concatenate %get3A_12, %get3A_15 in 1 : vector<128x1xf32>, vector<128x1xf32> -> vector<128x2xf32>
    %get3A_17 = arith.constant 0 : index
    %get3A_18 = arith.constant 0 : index
    %get3A_19 = vector.load %arg5[%get3A_17, %get3A_18] : memref<128x128xf32, #tpu.memory_space<vmem>>, vector<128x128xf32>
    %dot_general3A = arith.constant dense<0.000000e+00> : vector<128x2xf32>
    %dot_general3A_20 = tpu.matmul %get3A_19, %concatenate3A_16, %dot_general3A {dimension_numbers = #tpu.dot_dimension_numbers<[1], [0], [0], [1], [0, 0, 1, 1], [], []>, transpose_lhs_hint = false} : vector<128x128xf32>, vector<128x2xf32>, vector<128x2xf32> -> vector<128x2xf32>
    %get3A_21 = arith.constant 0 : index
    %get3A_22 = arith.constant 0 : index
    %get3A_23 = vector.load %arg6[%get3A_21, %get3A_22] : memref<128x1xf32, #tpu.memory_space<vmem>>, vector<128x1xf32>
    %concatenate3A_24 = tpu.concatenate %dot_general3A_20, %get3A_23 in 1 : vector<128x2xf32>, vector<128x1xf32> -> vector<128x3xf32>
    %dot_general3A_25 = arith.constant dense<0.000000e+00> : vector<128x32768xf32>
    %dot_general3A_26 = tpu.matmul %concatenate3A_24, %concatenate3A, %dot_general3A_25 {dimension_numbers = #tpu.dot_dimension_numbers<[1], [0], [0], [1], [0, 0, 1, 1], [], []>, transpose_lhs_hint = false} : vector<128x3xf32>, vector<3x32768xf32>, vector<128x32768xf32> -> vector<128x32768xf32>
    %logistic3A = arith.negf %dot_general3A_26 : vector<128x32768xf32>
    %logistic3A_27 = math.exp %logistic3A : vector<128x32768xf32>
    %logistic3A_28 = arith.constant 1.000000e+00 : f32
    %logistic3A_29 = vector.broadcast %logistic3A_28 : f32 to vector<128x32768xf32>
    %logistic3A_30 = arith.addf %logistic3A_29, %logistic3A_27 : vector<128x32768xf32>
    %logistic3A_31 = arith.divf %logistic3A_29, %logistic3A_30 : vector<128x32768xf32>
    %mul3A = arith.mulf %dot_general3A_26, %logistic3A_31 : vector<128x32768xf32>
    %get3A_32 = arith.constant 0 : index
    %get3A_33 = arith.constant 0 : index
    %get3A_34 = vector.load %arg7[%get3A_32, %get3A_33] : memref<128x128xf32, #tpu.memory_space<vmem>>, vector<128x128xf32>
    %dot_general3A_35 = arith.constant dense<0.000000e+00> : vector<128x32768xf32>
    %dot_general3A_36 = tpu.matmul %get3A_34, %mul3A, %dot_general3A_35 {dimension_numbers = #tpu.dot_dimension_numbers<[1], [0], [0], [1], [0, 0, 1, 1], [], []>, transpose_lhs_hint = false} : vector<128x128xf32>, vector<128x32768xf32>, vector<128x32768xf32> -> vector<128x32768xf32>
    %get3A_37 = arith.constant 0 : index
    %get3A_38 = arith.constant 0 : index
    %get3A_39 = vector.load %arg8[%get3A_37, %get3A_38] : memref<128x1xf32, #tpu.memory_space<vmem>>, vector<128x1xf32>
    %add3A = vector.broadcast %get3A_39 : vector<128x1xf32> to vector<128x32768xf32>
    %add3A_40 = arith.addf %dot_general3A_36, %add3A : vector<128x32768xf32>
    %logistic3A_41 = arith.negf %add3A_40 : vector<128x32768xf32>
    %logistic3A_42 = math.exp %logistic3A_41 : vector<128x32768xf32>
    %logistic3A_43 = arith.constant 1.000000e+00 : f32
    %logistic3A_44 = vector.broadcast %logistic3A_43 : f32 to vector<128x32768xf32>
    %logistic3A_45 = arith.addf %logistic3A_44, %logistic3A_42 : vector<128x32768xf32>
    %logistic3A_46 = arith.divf %logistic3A_44, %logistic3A_45 : vector<128x32768xf32>
    %mul3A_47 = arith.mulf %add3A_40, %logistic3A_46 : vector<128x32768xf32>
    %get3A_48 = arith.constant 0 : index
    %get3A_49 = arith.constant 0 : index
    %get3A_50 = vector.load %arg9[%get3A_48, %get3A_49] : memref<1x128xf32, #tpu.memory_space<vmem>>, vector<1x128xf32>
    %dot_general3A_51 = arith.constant dense<0.000000e+00> : vector<1x32768xf32>
    %dot_general3A_52 = tpu.matmul %get3A_50, %mul3A_47, %dot_general3A_51 {dimension_numbers = #tpu.dot_dimension_numbers<[1], [0], [0], [1], [0, 0, 1, 1], [], []>, transpose_lhs_hint = false} : vector<1x128xf32>, vector<128x32768xf32>, vector<1x32768xf32> -> vector<1x32768xf32>
    %broadcast_in_dim3A_53 = arith.constant 1.000000e+00 : f32
    %broadcast_in_dim3A_54 = vector.broadcast %broadcast_in_dim3A_53 : f32 to vector<1024x1xf32>
    %mul3A_55 = arith.constant 9.765625E-4 : f32
    %mul3A_56 = vector.broadcast %mul3A_55 : f32 to vector<1024x1xf32>
    %mul3A_57 = arith.mulf %broadcast_in_dim3A_54, %mul3A_56 : vector<1024x1xf32>
    %broadcast_in_dim3A_58 = arith.constant 0.000000e+00 : f32
    %broadcast_in_dim3A_59 = vector.broadcast %broadcast_in_dim3A_58 : f32 to vector<1x126xf32>
    %slice3A = vector.extract_strided_slice %dot_general3A_52 {offsets = [0, 0], sizes = [1, 2048], strides = [1, 1]} : vector<1x32768xf32> to vector<1x2048xf32>
    %slice3A_60 = vector.extract_strided_slice %mul3A_47 {offsets = [0, 0], sizes = [128, 1024], strides = [1, 1]} : vector<128x32768xf32> to vector<128x1024xf32>
    %dot_general3A_61 = arith.constant dense<0.000000e+00> : vector<128x1xf32>
    %dot_general3A_62 = tpu.matmul %slice3A_60, %mul3A_57, %dot_general3A_61 {dimension_numbers = #tpu.dot_dimension_numbers<[1], [0], [0], [1], [0, 0, 1, 1], [], []>, transpose_lhs_hint = false} : vector<128x1024xf32>, vector<1024x1xf32>, vector<128x1xf32> -> vector<128x1xf32>
    %get3A_63 = arith.constant 0 : index
    %get3A_64 = arith.constant 0 : index
    %get3A_65 = vector.load %arg10[%get3A_63, %get3A_64] : memref<2x128xf32, #tpu.memory_space<vmem>>, vector<2x128xf32>
    %dot_general3A_66 = arith.constant dense<0.000000e+00> : vector<2x1xf32>
    %dot_general3A_67 = tpu.matmul %get3A_65, %dot_general3A_62, %dot_general3A_66 {dimension_numbers = #tpu.dot_dimension_numbers<[1], [0], [0], [1], [0, 0, 1, 1], [], []>, transpose_lhs_hint = false} : vector<2x128xf32>, vector<128x1xf32>, vector<2x1xf32> -> vector<2x1xf32>
    %slice3A_68 = vector.extract_strided_slice %dot_general3A_67 {offsets = [0, 0], sizes = [1, 1], strides = [1, 1]} : vector<2x1xf32> to vector<1x1xf32>
    %slice3A_69 = vector.extract_strided_slice %dot_general3A_67 {offsets = [1, 0], sizes = [1, 1], strides = [1, 1]} : vector<2x1xf32> to vector<1x1xf32>
    %concatenate3A_70 = tpu.concatenate %slice3A, %slice3A_68, %slice3A_69, %broadcast_in_dim3A_59 in 1 : vector<1x2048xf32>, vector<1x1xf32>, vector<1x1xf32>, vector<1x126xf32> -> vector<1x2176xf32>
    %mul3A_71 = arith.constant 16 : i32
    %mul3A_72 = arith.muli %arg0, %mul3A_71 : i32
    %add3A_73 = arith.constant 0 : i32
    %add3A_74 = arith.addi %mul3A_72, %add3A_73 : i32
    %swap3A = arith.index_cast %add3A_74 : i32 to index
    %swap3A_75 = arith.constant 0 : index
    %swap3A_76 = vector.load %arg11[%swap3A, %swap3A_75] : memref<16x2176xf32, #tpu.memory_space<vmem>>, vector<1x2176xf32>
    tpu.vector_store %arg11[%swap3A, %swap3A_75], %concatenate3A_70 {strides = array<i32>} : memref<16x2176xf32, #tpu.memory_space<vmem>>, vector<1x2176xf32>,
    %slice3A_77 = vector.extract_strided_slice %dot_general3A_52 {offsets = [0, 2048], sizes = [1, 2048], strides = [1, 1]} : vector<1x32768xf32> to vector<1x2048xf32>
    %slice3A_78 = vector.extract_strided_slice %mul3A_47 {offsets = [0, 2048], sizes = [128, 1024], strides = [1, 1]} : vector<128x32768xf32> to vector<128x1024xf32>
    %dot_general3A_79 = arith.constant dense<0.000000e+00> : vector<128x1xf32>
    %dot_general3A_80 = tpu.matmul %slice3A_78, %mul3A_57, %dot_general3A_79 {dimension_numbers = #tpu.dot_dimension_numbers<[1], [0], [0], [1], [0, 0, 1, 1], [], []>, transpose_lhs_hint = false} : vector<128x1024xf32>, vector<1024x1xf32>, vector<128x1xf32> -> vector<128x1xf32>
    %get3A_81 = arith.constant 0 : index
    %get3A_82 = arith.constant 0 : index
    %get3A_83 = vector.load %arg10[%get3A_81, %get3A_82] : memref<2x128xf32, #tpu.memory_space<vmem>>, vector<2x128xf32>
    %dot_general3A_84 = arith.constant dense<0.000000e+00> : vector<2x1xf32>
    %dot_general3A_85 = tpu.matmul %get3A_83, %dot_general3A_80, %dot_general3A_84 {dimension_numbers = #tpu.dot_dimension_numbers<[1], [0], [0], [1], [0, 0, 1, 1], [], []>, transpose_lhs_hint = false} : vector<2x128xf32>, vector<128x1xf32>, vector<2x1xf32> -> vector<2x1xf32>
    %slice3A_86 = vector.extract_strided_slice %dot_general3A_85 {offsets = [0, 0], sizes = [1, 1], strides = [1, 1]} : vector<2x1xf32> to vector<1x1xf32>
    %slice3A_87 = vector.extract_strided_slice %dot_general3A_85 {offsets = [1, 0], sizes = [1, 1], strides = [1, 1]} : vector<2x1xf32> to vector<1x1xf32>
    %concatenate3A_88 = tpu.concatenate %slice3A_77, %slice3A_86, %slice3A_87, %broadcast_in_dim3A_59 in 1 : vector<1x2048xf32>, vector<1x1xf32>, vector<1x1xf32>, vector<1x126xf32> -> vector<1x2176xf32>
    %mul3A_89 = arith.constant 16 : i32
    %mul3A_90 = arith.muli %arg0, %mul3A_89 : i32
    %add3A_91 = arith.constant 1 : i32
    %add3A_92 = arith.addi %mul3A_90, %add3A_91 : i32
    %swap3A_93 = arith.index_cast %add3A_92 : i32 to index
    %swap3A_94 = arith.constant 0 : index
    %swap3A_95 = vector.load %arg11[%swap3A_93, %swap3A_94] : memref<16x2176xf32, #tpu.memory_space<vmem>>, vector<1x2176xf32>
    tpu.vector_store %arg11[%swap3A_93, %swap3A_94], %concatenate3A_88 {strides = array<i32>} : memref<16x2176xf32, #tpu.memory_space<vmem>>, vector<1x2176xf32>,
    %slice3A_96 = vector.extract_strided_slice %dot_general3A_52 {offsets = [0, 4096], sizes = [1, 2048], strides = [1, 1]} : vector<1x32768xf32> to vector<1x2048xf32>
    %slice3A_97 = vector.extract_strided_slice %mul3A_47 {offsets = [0, 4096], sizes = [128, 1024], strides = [1, 1]} : vector<128x32768xf32> to vector<128x1024xf32>
    %dot_general3A_98 = arith.constant dense<0.000000e+00> : vector<128x1xf32>
    %dot_general3A_99 = tpu.matmul %slice3A_97, %mul3A_57, %dot_general3A_98 {dimension_numbers = #tpu.dot_dimension_numbers<[1], [0], [0], [1], [0, 0, 1, 1], [], []>, transpose_lhs_hint = false} : vector<128x1024xf32>, vector<1024x1xf32>, vector<128x1xf32> -> vector<128x1xf32>
    %get3A_100 = arith.constant 0 : index
    %get3A_101 = arith.constant 0 : index
    %get3A_102 = vector.load %arg10[%get3A_100, %get3A_101] : memref<2x128xf32, #tpu.memory_space<vmem>>, vector<2x128xf32>
    %dot_general3A_103 = arith.constant dense<0.000000e+00> : vector<2x1xf32>
    %dot_general3A_104 = tpu.matmul %get3A_102, %dot_general3A_99, %dot_general3A_103 {dimension_numbers = #tpu.dot_dimension_numbers<[1], [0], [0], [1], [0, 0, 1, 1], [], []>, transpose_lhs_hint = false} : vector<2x128xf32>, vector<128x1xf32>, vector<2x1xf32> -> vector<2x1xf32>
    %slice3A_105 = vector.extract_strided_slice %dot_general3A_104 {offsets = [0, 0], sizes = [1, 1], strides = [1, 1]} : vector<2x1xf32> to vector<1x1xf32>
    %slice3A_106 = vector.extract_strided_slice %dot_general3A_104 {offsets = [1, 0], sizes = [1, 1], strides = [1, 1]} : vector<2x1xf32> to vector<1x1xf32>
    %concatenate3A_107 = tpu.concatenate %slice3A_96, %slice3A_105, %slice3A_106, %broadcast_in_dim3A_59 in 1 : vector<1x2048xf32>, vector<1x1xf32>, vector<1x1xf32>, vector<1x126xf32> -> vector<1x2176xf32>
    %mul3A_108 = arith.constant 16 : i32
    %mul3A_109 = arith.muli %arg0, %mul3A_108 : i32
    %add3A_110 = arith.constant 2 : i32
    %add3A_111 = arith.addi %mul3A_109, %add3A_110 : i32
    %swap3A_112 = arith.index_cast %add3A_111 : i32 to index
    %swap3A_113 = arith.constant 0 : index
    %swap3A_114 = vector.load %arg11[%swap3A_112, %swap3A_113] : memref<16x2176xf32, #tpu.memory_space<vmem>>, vector<1x2176xf32>
    tpu.vector_store %arg11[%swap3A_112, %swap3A_113], %concatenate3A_107 {strides = array<i32>} : memref<16x2176xf32, #tpu.memory_space<vmem>>, vector<1x2176xf32>,
    %slice3A_115 = vector.extract_strided_slice %dot_general3A_52 {offsets = [0, 6144], sizes = [1, 2048], strides = [1, 1]} : vector<1x32768xf32> to vector<1x2048xf32>
    %slice3A_116 = vector.extract_strided_slice %mul3A_47 {offsets = [0, 6144], sizes = [128, 1024], strides = [1, 1]} : vector<128x32768xf32> to vector<128x1024xf32>
    %dot_general3A_117 = arith.constant dense<0.000000e+00> : vector<128x1xf32>
    %dot_general3A_118 = tpu.matmul %slice3A_116, %mul3A_57, %dot_general3A_117 {dimension_numbers = #tpu.dot_dimension_numbers<[1], [0], [0], [1], [0, 0, 1, 1], [], []>, transpose_lhs_hint = false} : vector<128x1024xf32>, vector<1024x1xf32>, vector<128x1xf32> -> vector<128x1xf32>
    %get3A_119 = arith.constant 0 : index
    %get3A_120 = arith.constant 0 : index
    %get3A_121 = vector.load %arg10[%get3A_119, %get3A_120] : memref<2x128xf32, #tpu.memory_space<vmem>>, vector<2x128xf32>
    %dot_general3A_122 = arith.constant dense<0.000000e+00> : vector<2x1xf32>
    %dot_general3A_123 = tpu.matmul %get3A_121, %dot_general3A_118, %dot_general3A_122 {dimension_numbers = #tpu.dot_dimension_numbers<[1], [0], [0], [1], [0, 0, 1, 1], [], []>, transpose_lhs_hint = false} : vector<2x128xf32>, vector<128x1xf32>, vector<2x1xf32> -> vector<2x1xf32>
    %slice3A_124 = vector.extract_strided_slice %dot_general3A_123 {offsets = [0, 0], sizes = [1, 1], strides = [1, 1]} : vector<2x1xf32> to vector<1x1xf32>
    %slice3A_125 = vector.extract_strided_slice %dot_general3A_123 {offsets = [1, 0], sizes = [1, 1], strides = [1, 1]} : vector<2x1xf32> to vector<1x1xf32>
    %concatenate3A_126 = tpu.concatenate %slice3A_115, %slice3A_124, %slice3A_125, %broadcast_in_dim3A_59 in 1 : vector<1x2048xf32>, vector<1x1xf32>, vector<1x1xf32>, vector<1x126xf32> -> vector<1x2176xf32>
    %mul3A_127 = arith.constant 16 : i32
    %mul3A_128 = arith.muli %arg0, %mul3A_127 : i32
    %add3A_129 = arith.constant 3 : i32
    %add3A_130 = arith.addi %mul3A_128, %add3A_129 : i32
    %swap3A_131 = arith.index_cast %add3A_130 : i32 to index
    %swap3A_132 = arith.constant 0 : index
    %swap3A_133 = vector.load %arg11[%swap3A_131, %swap3A_132] : memref<16x2176xf32, #tpu.memory_space<vmem>>, vector<1x2176xf32>
    tpu.vector_store %arg11[%swap3A_131, %swap3A_132], %concatenate3A_126 {strides = array<i32>} : memref<16x2176xf32, #tpu.memory_space<vmem>>, vector<1x2176xf32>,
    %slice3A_134 = vector.extract_strided_slice %dot_general3A_52 {offsets = [0, 8192], sizes = [1, 2048], strides = [1, 1]} : vector<1x32768xf32> to vector<1x2048xf32>
    %slice3A_135 = vector.extract_strided_slice %mul3A_47 {offsets = [0, 8192], sizes = [128, 1024], strides = [1, 1]} : vector<128x32768xf32> to vector<128x1024xf32>
    %dot_general3A_136 = arith.constant dense<0.000000e+00> : vector<128x1xf32>
    %dot_general3A_137 = tpu.matmul %slice3A_135, %mul3A_57, %dot_general3A_136 {dimension_numbers = #tpu.dot_dimension_numbers<[1], [0], [0], [1], [0, 0, 1, 1], [], []>, transpose_lhs_hint = false} : vector<128x1024xf32>, vector<1024x1xf32>, vector<128x1xf32> -> vector<128x1xf32>
    %get3A_138 = arith.constant 0 : index
    %get3A_139 = arith.constant 0 : index
    %get3A_140 = vector.load %arg10[%get3A_138, %get3A_139] : memref<2x128xf32, #tpu.memory_space<vmem>>, vector<2x128xf32>
    %dot_general3A_141 = arith.constant dense<0.000000e+00> : vector<2x1xf32>
    %dot_general3A_142 = tpu.matmul %get3A_140, %dot_general3A_137, %dot_general3A_141 {dimension_numbers = #tpu.dot_dimension_numbers<[1], [0], [0], [1], [0, 0, 1, 1], [], []>, transpose_lhs_hint = false} : vector<2x128xf32>, vector<128x1xf32>, vector<2x1xf32> -> vector<2x1xf32>
    %slice3A_143 = vector.extract_strided_slice %dot_general3A_142 {offsets = [0, 0], sizes = [1, 1], strides = [1, 1]} : vector<2x1xf32> to vector<1x1xf32>
    %slice3A_144 = vector.extract_strided_slice %dot_general3A_142 {offsets = [1, 0], sizes = [1, 1], strides = [1, 1]} : vector<2x1xf32> to vector<1x1xf32>
    %concatenate3A_145 = tpu.concatenate %slice3A_134, %slice3A_143, %slice3A_144, %broadcast_in_dim3A_59 in 1 : vector<1x2048xf32>, vector<1x1xf32>, vector<1x1xf32>, vector<1x126xf32> -> vector<1x2176xf32>
    %mul3A_146 = arith.constant 16 : i32
    %mul3A_147 = arith.muli %arg0, %mul3A_146 : i32
    %add3A_148 = arith.constant 4 : i32
    %add3A_149 = arith.addi %mul3A_147, %add3A_148 : i32
    %swap3A_150 = arith.index_cast %add3A_149 : i32 to index
    %swap3A_151 = arith.constant 0 : index
    %swap3A_152 = vector.load %arg11[%swap3A_150, %swap3A_151] : memref<16x2176xf32, #tpu.memory_space<vmem>>, vector<1x2176xf32>
    tpu.vector_store %arg11[%swap3A_150, %swap3A_151], %concatenate3A_145 {strides = array<i32>} : memref<16x2176xf32, #tpu.memory_space<vmem>>, vector<1x2176xf32>,
    %slice3A_153 = vector.extract_strided_slice %dot_general3A_52 {offsets = [0, 10240], sizes = [1, 2048], strides = [1, 1]} : vector<1x32768xf32> to vector<1x2048xf32>
    %slice3A_154 = vector.extract_strided_slice %mul3A_47 {offsets = [0, 10240], sizes = [128, 1024], strides = [1, 1]} : vector<128x32768xf32> to vector<128x1024xf32>
    %dot_general3A_155 = arith.constant dense<0.000000e+00> : vector<128x1xf32>
    %dot_general3A_156 = tpu.matmul %slice3A_154, %mul3A_57, %dot_general3A_155 {dimension_numbers = #tpu.dot_dimension_numbers<[1], [0], [0], [1], [0, 0, 1, 1], [], []>, transpose_lhs_hint = false} : vector<128x1024xf32>, vector<1024x1xf32>, vector<128x1xf32> -> vector<128x1xf32>
    %get3A_157 = arith.constant 0 : index
    %get3A_158 = arith.constant 0 : index
    %get3A_159 = vector.load %arg10[%get3A_157, %get3A_158] : memref<2x128xf32, #tpu.memory_space<vmem>>, vector<2x128xf32>
    %dot_general3A_160 = arith.constant dense<0.000000e+00> : vector<2x1xf32>
    %dot_general3A_161 = tpu.matmul %get3A_159, %dot_general3A_156, %dot_general3A_160 {dimension_numbers = #tpu.dot_dimension_numbers<[1], [0], [0], [1], [0, 0, 1, 1], [], []>, transpose_lhs_hint = false} : vector<2x128xf32>, vector<128x1xf32>, vector<2x1xf32> -> vector<2x1xf32>
    %slice3A_162 = vector.extract_strided_slice %dot_general3A_161 {offsets = [0, 0], sizes = [1, 1], strides = [1, 1]} : vector<2x1xf32> to vector<1x1xf32>
    %slice3A_163 = vector.extract_strided_slice %dot_general3A_161 {offsets = [1, 0], sizes = [1, 1], strides = [1, 1]} : vector<2x1xf32> to vector<1x1xf32>
    %concatenate3A_164 = tpu.concatenate %slice3A_153, %slice3A_162, %slice3A_163, %broadcast_in_dim3A_59 in 1 : vector<1x2048xf32>, vector<1x1xf32>, vector<1x1xf32>, vector<1x126xf32> -> vector<1x2176xf32>
    %mul3A_165 = arith.constant 16 : i32
    %mul3A_166 = arith.muli %arg0, %mul3A_165 : i32
    %add3A_167 = arith.constant 5 : i32
    %add3A_168 = arith.addi %mul3A_166, %add3A_167 : i32
    %swap3A_169 = arith.index_cast %add3A_168 : i32 to index
    %swap3A_170 = arith.constant 0 : index
    %swap3A_171 = vector.load %arg11[%swap3A_169, %swap3A_170] : memref<16x2176xf32, #tpu.memory_space<vmem>>, vector<1x2176xf32>
    tpu.vector_store %arg11[%swap3A_169, %swap3A_170], %concatenate3A_164 {strides = array<i32>} : memref<16x2176xf32, #tpu.memory_space<vmem>>, vector<1x2176xf32>,
    %slice3A_172 = vector.extract_strided_slice %dot_general3A_52 {offsets = [0, 12288], sizes = [1, 2048], strides = [1, 1]} : vector<1x32768xf32> to vector<1x2048xf32>
    %slice3A_173 = vector.extract_strided_slice %mul3A_47 {offsets = [0, 12288], sizes = [128, 1024], strides = [1, 1]} : vector<128x32768xf32> to vector<128x1024xf32>
    %dot_general3A_174 = arith.constant dense<0.000000e+00> : vector<128x1xf32>
    %dot_general3A_175 = tpu.matmul %slice3A_173, %mul3A_57, %dot_general3A_174 {dimension_numbers = #tpu.dot_dimension_numbers<[1], [0], [0], [1], [0, 0, 1, 1], [], []>, transpose_lhs_hint = false} : vector<128x1024xf32>, vector<1024x1xf32>, vector<128x1xf32> -> vector<128x1xf32>
    %get3A_176 = arith.constant 0 : index
    %get3A_177 = arith.constant 0 : index
    %get3A_178 = vector.load %arg10[%get3A_176, %get3A_177] : memref<2x128xf32, #tpu.memory_space<vmem>>, vector<2x128xf32>
    %dot_general3A_179 = arith.constant dense<0.000000e+00> : vector<2x1xf32>
    %dot_general3A_180 = tpu.matmul %get3A_178, %dot_general3A_175, %dot_general3A_179 {dimension_numbers = #tpu.dot_dimension_numbers<[1], [0], [0], [1], [0, 0, 1, 1], [], []>, transpose_lhs_hint = false} : vector<2x128xf32>, vector<128x1xf32>, vector<2x1xf32> -> vector<2x1xf32>
    %slice3A_181 = vector.extract_strided_slice %dot_general3A_180 {offsets = [0, 0], sizes = [1, 1], strides = [1, 1]} : vector<2x1xf32> to vector<1x1xf32>
    %slice3A_182 = vector.extract_strided_slice %dot_general3A_180 {offsets = [1, 0], sizes = [1, 1], strides = [1, 1]} : vector<2x1xf32> to vector<1x1xf32>
    %concatenate3A_183 = tpu.concatenate %slice3A_172, %slice3A_181, %slice3A_182, %broadcast_in_dim3A_59 in 1 : vector<1x2048xf32>, vector<1x1xf32>, vector<1x1xf32>, vector<1x126xf32> -> vector<1x2176xf32>
    %mul3A_184 = arith.constant 16 : i32
    %mul3A_185 = arith.muli %arg0, %mul3A_184 : i32
    %add3A_186 = arith.constant 6 : i32
    %add3A_187 = arith.addi %mul3A_185, %add3A_186 : i32
    %swap3A_188 = arith.index_cast %add3A_187 : i32 to index
    %swap3A_189 = arith.constant 0 : index
    %swap3A_190 = vector.load %arg11[%swap3A_188, %swap3A_189] : memref<16x2176xf32, #tpu.memory_space<vmem>>, vector<1x2176xf32>
    tpu.vector_store %arg11[%swap3A_188, %swap3A_189], %concatenate3A_183 {strides = array<i32>} : memref<16x2176xf32, #tpu.memory_space<vmem>>, vector<1x2176xf32>,
    %slice3A_191 = vector.extract_strided_slice %dot_general3A_52 {offsets = [0, 14336], sizes = [1, 2048], strides = [1, 1]} : vector<1x32768xf32> to vector<1x2048xf32>
    %slice3A_192 = vector.extract_strided_slice %mul3A_47 {offsets = [0, 14336], sizes = [128, 1024], strides = [1, 1]} : vector<128x32768xf32> to vector<128x1024xf32>
    %dot_general3A_193 = arith.constant dense<0.000000e+00> : vector<128x1xf32>
    %dot_general3A_194 = tpu.matmul %slice3A_192, %mul3A_57, %dot_general3A_193 {dimension_numbers = #tpu.dot_dimension_numbers<[1], [0], [0], [1], [0, 0, 1, 1], [], []>, transpose_lhs_hint = false} : vector<128x1024xf32>, vector<1024x1xf32>, vector<128x1xf32> -> vector<128x1xf32>
    %get3A_195 = arith.constant 0 : index
    %get3A_196 = arith.constant 0 : index
    %get3A_197 = vector.load %arg10[%get3A_195, %get3A_196] : memref<2x128xf32, #tpu.memory_space<vmem>>, vector<2x128xf32>
    %dot_general3A_198 = arith.constant dense<0.000000e+00> : vector<2x1xf32>
    %dot_general3A_199 = tpu.matmul %get3A_197, %dot_general3A_194, %dot_general3A_198 {dimension_numbers = #tpu.dot_dimension_numbers<[1], [0], [0], [1], [0, 0, 1, 1], [], []>, transpose_lhs_hint = false} : vector<2x128xf32>, vector<128x1xf32>, vector<2x1xf32> -> vector<2x1xf32>
    %slice3A_200 = vector.extract_strided_slice %dot_general3A_199 {offsets = [0, 0], sizes = [1, 1], strides = [1, 1]} : vector<2x1xf32> to vector<1x1xf32>
    %slice3A_201 = vector.extract_strided_slice %dot_general3A_199 {offsets = [1, 0], sizes = [1, 1], strides = [1, 1]} : vector<2x1xf32> to vector<1x1xf32>
    %concatenate3A_202 = tpu.concatenate %slice3A_191, %slice3A_200, %slice3A_201, %broadcast_in_dim3A_59 in 1 : vector<1x2048xf32>, vector<1x1xf32>, vector<1x1xf32>, vector<1x126xf32> -> vector<1x2176xf32>
    %mul3A_203 = arith.constant 16 : i32
    %mul3A_204 = arith.muli %arg0, %mul3A_203 : i32
    %add3A_205 = arith.constant 7 : i32
    %add3A_206 = arith.addi %mul3A_204, %add3A_205 : i32
    %swap3A_207 = arith.index_cast %add3A_206 : i32 to index
    %swap3A_208 = arith.constant 0 : index
    %swap3A_209 = vector.load %arg11[%swap3A_207, %swap3A_208] : memref<16x2176xf32, #tpu.memory_space<vmem>>, vector<1x2176xf32>
    tpu.vector_store %arg11[%swap3A_207, %swap3A_208], %concatenate3A_202 {strides = array<i32>} : memref<16x2176xf32, #tpu.memory_space<vmem>>, vector<1x2176xf32>,
    %slice3A_210 = vector.extract_strided_slice %dot_general3A_52 {offsets = [0, 16384], sizes = [1, 2048], strides = [1, 1]} : vector<1x32768xf32> to vector<1x2048xf32>
    %slice3A_211 = vector.extract_strided_slice %mul3A_47 {offsets = [0, 16384], sizes = [128, 1024], strides = [1, 1]} : vector<128x32768xf32> to vector<128x1024xf32>
    %dot_general3A_212 = arith.constant dense<0.000000e+00> : vector<128x1xf32>
    %dot_general3A_213 = tpu.matmul %slice3A_211, %mul3A_57, %dot_general3A_212 {dimension_numbers = #tpu.dot_dimension_numbers<[1], [0], [0], [1], [0, 0, 1, 1], [], []>, transpose_lhs_hint = false} : vector<128x1024xf32>, vector<1024x1xf32>, vector<128x1xf32> -> vector<128x1xf32>
    %get3A_214 = arith.constant 0 : index
    %get3A_215 = arith.constant 0 : index
    %get3A_216 = vector.load %arg10[%get3A_214, %get3A_215] : memref<2x128xf32, #tpu.memory_space<vmem>>, vector<2x128xf32>
    %dot_general3A_217 = arith.constant dense<0.000000e+00> : vector<2x1xf32>
    %dot_general3A_218 = tpu.matmul %get3A_216, %dot_general3A_213, %dot_general3A_217 {dimension_numbers = #tpu.dot_dimension_numbers<[1], [0], [0], [1], [0, 0, 1, 1], [], []>, transpose_lhs_hint = false} : vector<2x128xf32>, vector<128x1xf32>, vector<2x1xf32> -> vector<2x1xf32>
    %slice3A_219 = vector.extract_strided_slice %dot_general3A_218 {offsets = [0, 0], sizes = [1, 1], strides = [1, 1]} : vector<2x1xf32> to vector<1x1xf32>
    %slice3A_220 = vector.extract_strided_slice %dot_general3A_218 {offsets = [1, 0], sizes = [1, 1], strides = [1, 1]} : vector<2x1xf32> to vector<1x1xf32>
    %concatenate3A_221 = tpu.concatenate %slice3A_210, %slice3A_219, %slice3A_220, %broadcast_in_dim3A_59 in 1 : vector<1x2048xf32>, vector<1x1xf32>, vector<1x1xf32>, vector<1x126xf32> -> vector<1x2176xf32>
    %mul3A_222 = arith.constant 16 : i32
    %mul3A_223 = arith.muli %arg0, %mul3A_222 : i32
    %add3A_224 = arith.constant 8 : i32
    %add3A_225 = arith.addi %mul3A_223, %add3A_224 : i32
    %swap3A_226 = arith.index_cast %add3A_225 : i32 to index
    %swap3A_227 = arith.constant 0 : index
    %swap3A_228 = vector.load %arg11[%swap3A_226, %swap3A_227] : memref<16x2176xf32, #tpu.memory_space<vmem>>, vector<1x2176xf32>
    tpu.vector_store %arg11[%swap3A_226, %swap3A_227], %concatenate3A_221 {strides = array<i32>} : memref<16x2176xf32, #tpu.memory_space<vmem>>, vector<1x2176xf32>,
    %slice3A_229 = vector.extract_strided_slice %dot_general3A_52 {offsets = [0, 18432], sizes = [1, 2048], strides = [1, 1]} : vector<1x32768xf32> to vector<1x2048xf32>
    %slice3A_230 = vector.extract_strided_slice %mul3A_47 {offsets = [0, 18432], sizes = [128, 1024], strides = [1, 1]} : vector<128x32768xf32> to vector<128x1024xf32>
    %dot_general3A_231 = arith.constant dense<0.000000e+00> : vector<128x1xf32>
    %dot_general3A_232 = tpu.matmul %slice3A_230, %mul3A_57, %dot_general3A_231 {dimension_numbers = #tpu.dot_dimension_numbers<[1], [0], [0], [1], [0, 0, 1, 1], [], []>, transpose_lhs_hint = false} : vector<128x1024xf32>, vector<1024x1xf32>, vector<128x1xf32> -> vector<128x1xf32>
    %get3A_233 = arith.constant 0 : index
    %get3A_234 = arith.constant 0 : index
    %get3A_235 = vector.load %arg10[%get3A_233, %get3A_234] : memref<2x128xf32, #tpu.memory_space<vmem>>, vector<2x128xf32>
    %dot_general3A_236 = arith.constant dense<0.000000e+00> : vector<2x1xf32>
    %dot_general3A_237 = tpu.matmul %get3A_235, %dot_general3A_232, %dot_general3A_236 {dimension_numbers = #tpu.dot_dimension_numbers<[1], [0], [0], [1], [0, 0, 1, 1], [], []>, transpose_lhs_hint = false} : vector<2x128xf32>, vector<128x1xf32>, vector<2x1xf32> -> vector<2x1xf32>
    %slice3A_238 = vector.extract_strided_slice %dot_general3A_237 {offsets = [0, 0], sizes = [1, 1], strides = [1, 1]} : vector<2x1xf32> to vector<1x1xf32>
    %slice3A_239 = vector.extract_strided_slice %dot_general3A_237 {offsets = [1, 0], sizes = [1, 1], strides = [1, 1]} : vector<2x1xf32> to vector<1x1xf32>
    %concatenate3A_240 = tpu.concatenate %slice3A_229, %slice3A_238, %slice3A_239, %broadcast_in_dim3A_59 in 1 : vector<1x2048xf32>, vector<1x1xf32>, vector<1x1xf32>, vector<1x126xf32> -> vector<1x2176xf32>
    %mul3A_241 = arith.constant 16 : i32
    %mul3A_242 = arith.muli %arg0, %mul3A_241 : i32
    %add3A_243 = arith.constant 9 : i32
    %add3A_244 = arith.addi %mul3A_242, %add3A_243 : i32
    %swap3A_245 = arith.index_cast %add3A_244 : i32 to index
    %swap3A_246 = arith.constant 0 : index
    %swap3A_247 = vector.load %arg11[%swap3A_245, %swap3A_246] : memref<16x2176xf32, #tpu.memory_space<vmem>>, vector<1x2176xf32>
    tpu.vector_store %arg11[%swap3A_245, %swap3A_246], %concatenate3A_240 {strides = array<i32>} : memref<16x2176xf32, #tpu.memory_space<vmem>>, vector<1x2176xf32>,
    %slice3A_248 = vector.extract_strided_slice %dot_general3A_52 {offsets = [0, 20480], sizes = [1, 2048], strides = [1, 1]} : vector<1x32768xf32> to vector<1x2048xf32>
    %slice3A_249 = vector.extract_strided_slice %mul3A_47 {offsets = [0, 20480], sizes = [128, 1024], strides = [1, 1]} : vector<128x32768xf32> to vector<128x1024xf32>
    %dot_general3A_250 = arith.constant dense<0.000000e+00> : vector<128x1xf32>
    %dot_general3A_251 = tpu.matmul %slice3A_249, %mul3A_57, %dot_general3A_250 {dimension_numbers = #tpu.dot_dimension_numbers<[1], [0], [0], [1], [0, 0, 1, 1], [], []>, transpose_lhs_hint = false} : vector<128x1024xf32>, vector<1024x1xf32>, vector<128x1xf32> -> vector<128x1xf32>
    %get3A_252 = arith.constant 0 : index
    %get3A_253 = arith.constant 0 : index
    %get3A_254 = vector.load %arg10[%get3A_252, %get3A_253] : memref<2x128xf32, #tpu.memory_space<vmem>>, vector<2x128xf32>
    %dot_general3A_255 = arith.constant dense<0.000000e+00> : vector<2x1xf32>
    %dot_general3A_256 = tpu.matmul %get3A_254, %dot_general3A_251, %dot_general3A_255 {dimension_numbers = #tpu.dot_dimension_numbers<[1], [0], [0], [1], [0, 0, 1, 1], [], []>, transpose_lhs_hint = false} : vector<2x128xf32>, vector<128x1xf32>, vector<2x1xf32> -> vector<2x1xf32>
    %slice3A_257 = vector.extract_strided_slice %dot_general3A_256 {offsets = [0, 0], sizes = [1, 1], strides = [1, 1]} : vector<2x1xf32> to vector<1x1xf32>
    %slice3A_258 = vector.extract_strided_slice %dot_general3A_256 {offsets = [1, 0], sizes = [1, 1], strides = [1, 1]} : vector<2x1xf32> to vector<1x1xf32>
    %concatenate3A_259 = tpu.concatenate %slice3A_248, %slice3A_257, %slice3A_258, %broadcast_in_dim3A_59 in 1 : vector<1x2048xf32>, vector<1x1xf32>, vector<1x1xf32>, vector<1x126xf32> -> vector<1x2176xf32>
    %mul3A_260 = arith.constant 16 : i32
    %mul3A_261 = arith.muli %arg0, %mul3A_260 : i32
    %add3A_262 = arith.constant 10 : i32
    %add3A_263 = arith.addi %mul3A_261, %add3A_262 : i32
    %swap3A_264 = arith.index_cast %add3A_263 : i32 to index
    %swap3A_265 = arith.constant 0 : index
    %swap3A_266 = vector.load %arg11[%swap3A_264, %swap3A_265] : memref<16x2176xf32, #tpu.memory_space<vmem>>, vector<1x2176xf32>
    tpu.vector_store %arg11[%swap3A_264, %swap3A_265], %concatenate3A_259 {strides = array<i32>} : memref<16x2176xf32, #tpu.memory_space<vmem>>, vector<1x2176xf32>,
    %slice3A_267 = vector.extract_strided_slice %dot_general3A_52 {offsets = [0, 22528], sizes = [1, 2048], strides = [1, 1]} : vector<1x32768xf32> to vector<1x2048xf32>
    %slice3A_268 = vector.extract_strided_slice %mul3A_47 {offsets = [0, 22528], sizes = [128, 1024], strides = [1, 1]} : vector<128x32768xf32> to vector<128x1024xf32>
    %dot_general3A_269 = arith.constant dense<0.000000e+00> : vector<128x1xf32>
    %dot_general3A_270 = tpu.matmul %slice3A_268, %mul3A_57, %dot_general3A_269 {dimension_numbers = #tpu.dot_dimension_numbers<[1], [0], [0], [1], [0, 0, 1, 1], [], []>, transpose_lhs_hint = false} : vector<128x1024xf32>, vector<1024x1xf32>, vector<128x1xf32> -> vector<128x1xf32>
    %get3A_271 = arith.constant 0 : index
    %get3A_272 = arith.constant 0 : index
    %get3A_273 = vector.load %arg10[%get3A_271, %get3A_272] : memref<2x128xf32, #tpu.memory_space<vmem>>, vector<2x128xf32>
    %dot_general3A_274 = arith.constant dense<0.000000e+00> : vector<2x1xf32>
    %dot_general3A_275 = tpu.matmul %get3A_273, %dot_general3A_270, %dot_general3A_274 {dimension_numbers = #tpu.dot_dimension_numbers<[1], [0], [0], [1], [0, 0, 1, 1], [], []>, transpose_lhs_hint = false} : vector<2x128xf32>, vector<128x1xf32>, vector<2x1xf32> -> vector<2x1xf32>
    %slice3A_276 = vector.extract_strided_slice %dot_general3A_275 {offsets = [0, 0], sizes = [1, 1], strides = [1, 1]} : vector<2x1xf32> to vector<1x1xf32>
    %slice3A_277 = vector.extract_strided_slice %dot_general3A_275 {offsets = [1, 0], sizes = [1, 1], strides = [1, 1]} : vector<2x1xf32> to vector<1x1xf32>
    %concatenate3A_278 = tpu.concatenate %slice3A_267, %slice3A_276, %slice3A_277, %broadcast_in_dim3A_59 in 1 : vector<1x2048xf32>, vector<1x1xf32>, vector<1x1xf32>, vector<1x126xf32> -> vector<1x2176xf32>
    %mul3A_279 = arith.constant 16 : i32
    %mul3A_280 = arith.muli %arg0, %mul3A_279 : i32
    %add3A_281 = arith.constant 11 : i32
    %add3A_282 = arith.addi %mul3A_280, %add3A_281 : i32
    %swap3A_283 = arith.index_cast %add3A_282 : i32 to index
    %swap3A_284 = arith.constant 0 : index
    %swap3A_285 = vector.load %arg11[%swap3A_283, %swap3A_284] : memref<16x2176xf32, #tpu.memory_space<vmem>>, vector<1x2176xf32>
    tpu.vector_store %arg11[%swap3A_283, %swap3A_284], %concatenate3A_278 {strides = array<i32>} : memref<16x2176xf32, #tpu.memory_space<vmem>>, vector<1x2176xf32>,
    %slice3A_286 = vector.extract_strided_slice %dot_general3A_52 {offsets = [0, 24576], sizes = [1, 2048], strides = [1, 1]} : vector<1x32768xf32> to vector<1x2048xf32>
    %slice3A_287 = vector.extract_strided_slice %mul3A_47 {offsets = [0, 24576], sizes = [128, 1024], strides = [1, 1]} : vector<128x32768xf32> to vector<128x1024xf32>
    %dot_general3A_288 = arith.constant dense<0.000000e+00> : vector<128x1xf32>
    %dot_general3A_289 = tpu.matmul %slice3A_287, %mul3A_57, %dot_general3A_288 {dimension_numbers = #tpu.dot_dimension_numbers<[1], [0], [0], [1], [0, 0, 1, 1], [], []>, transpose_lhs_hint = false} : vector<128x1024xf32>, vector<1024x1xf32>, vector<128x1xf32> -> vector<128x1xf32>
    %get3A_290 = arith.constant 0 : index
    %get3A_291 = arith.constant 0 : index
    %get3A_292 = vector.load %arg10[%get3A_290, %get3A_291] : memref<2x128xf32, #tpu.memory_space<vmem>>, vector<2x128xf32>
    %dot_general3A_293 = arith.constant dense<0.000000e+00> : vector<2x1xf32>
    %dot_general3A_294 = tpu.matmul %get3A_292, %dot_general3A_289, %dot_general3A_293 {dimension_numbers = #tpu.dot_dimension_numbers<[1], [0], [0], [1], [0, 0, 1, 1], [], []>, transpose_lhs_hint = false} : vector<2x128xf32>, vector<128x1xf32>, vector<2x1xf32> -> vector<2x1xf32>
    %slice3A_295 = vector.extract_strided_slice %dot_general3A_294 {offsets = [0, 0], sizes = [1, 1], strides = [1, 1]} : vector<2x1xf32> to vector<1x1xf32>
    %slice3A_296 = vector.extract_strided_slice %dot_general3A_294 {offsets = [1, 0], sizes = [1, 1], strides = [1, 1]} : vector<2x1xf32> to vector<1x1xf32>
    %concatenate3A_297 = tpu.concatenate %slice3A_286, %slice3A_295, %slice3A_296, %broadcast_in_dim3A_59 in 1 : vector<1x2048xf32>, vector<1x1xf32>, vector<1x1xf32>, vector<1x126xf32> -> vector<1x2176xf32>
    %mul3A_298 = arith.constant 16 : i32
    %mul3A_299 = arith.muli %arg0, %mul3A_298 : i32
    %add3A_300 = arith.constant 12 : i32
    %add3A_301 = arith.addi %mul3A_299, %add3A_300 : i32
    %swap3A_302 = arith.index_cast %add3A_301 : i32 to index
    %swap3A_303 = arith.constant 0 : index
    %swap3A_304 = vector.load %arg11[%swap3A_302, %swap3A_303] : memref<16x2176xf32, #tpu.memory_space<vmem>>, vector<1x2176xf32>
    tpu.vector_store %arg11[%swap3A_302, %swap3A_303], %concatenate3A_297 {strides = array<i32>} : memref<16x2176xf32, #tpu.memory_space<vmem>>, vector<1x2176xf32>,
    %slice3A_305 = vector.extract_strided_slice %dot_general3A_52 {offsets = [0, 26624], sizes = [1, 2048], strides = [1, 1]} : vector<1x32768xf32> to vector<1x2048xf32>
    %slice3A_306 = vector.extract_strided_slice %mul3A_47 {offsets = [0, 26624], sizes = [128, 1024], strides = [1, 1]} : vector<128x32768xf32> to vector<128x1024xf32>
    %dot_general3A_307 = arith.constant dense<0.000000e+00> : vector<128x1xf32>
    %dot_general3A_308 = tpu.matmul %slice3A_306, %mul3A_57, %dot_general3A_307 {dimension_numbers = #tpu.dot_dimension_numbers<[1], [0], [0], [1], [0, 0, 1, 1], [], []>, transpose_lhs_hint = false} : vector<128x1024xf32>, vector<1024x1xf32>, vector<128x1xf32> -> vector<128x1xf32>
    %get3A_309 = arith.constant 0 : index
    %get3A_310 = arith.constant 0 : index
    %get3A_311 = vector.load %arg10[%get3A_309, %get3A_310] : memref<2x128xf32, #tpu.memory_space<vmem>>, vector<2x128xf32>
    %dot_general3A_312 = arith.constant dense<0.000000e+00> : vector<2x1xf32>
    %dot_general3A_313 = tpu.matmul %get3A_311, %dot_general3A_308, %dot_general3A_312 {dimension_numbers = #tpu.dot_dimension_numbers<[1], [0], [0], [1], [0, 0, 1, 1], [], []>, transpose_lhs_hint = false} : vector<2x128xf32>, vector<128x1xf32>, vector<2x1xf32> -> vector<2x1xf32>
    %slice3A_314 = vector.extract_strided_slice %dot_general3A_313 {offsets = [0, 0], sizes = [1, 1], strides = [1, 1]} : vector<2x1xf32> to vector<1x1xf32>
    %slice3A_315 = vector.extract_strided_slice %dot_general3A_313 {offsets = [1, 0], sizes = [1, 1], strides = [1, 1]} : vector<2x1xf32> to vector<1x1xf32>
    %concatenate3A_316 = tpu.concatenate %slice3A_305, %slice3A_314, %slice3A_315, %broadcast_in_dim3A_59 in 1 : vector<1x2048xf32>, vector<1x1xf32>, vector<1x1xf32>, vector<1x126xf32> -> vector<1x2176xf32>
    %mul3A_317 = arith.constant 16 : i32
    %mul3A_318 = arith.muli %arg0, %mul3A_317 : i32
    %add3A_319 = arith.constant 13 : i32
    %add3A_320 = arith.addi %mul3A_318, %add3A_319 : i32
    %swap3A_321 = arith.index_cast %add3A_320 : i32 to index
    %swap3A_322 = arith.constant 0 : index
    %swap3A_323 = vector.load %arg11[%swap3A_321, %swap3A_322] : memref<16x2176xf32, #tpu.memory_space<vmem>>, vector<1x2176xf32>
    tpu.vector_store %arg11[%swap3A_321, %swap3A_322], %concatenate3A_316 {strides = array<i32>} : memref<16x2176xf32, #tpu.memory_space<vmem>>, vector<1x2176xf32>,
    %slice3A_324 = vector.extract_strided_slice %dot_general3A_52 {offsets = [0, 28672], sizes = [1, 2048], strides = [1, 1]} : vector<1x32768xf32> to vector<1x2048xf32>
    %slice3A_325 = vector.extract_strided_slice %mul3A_47 {offsets = [0, 28672], sizes = [128, 1024], strides = [1, 1]} : vector<128x32768xf32> to vector<128x1024xf32>
    %dot_general3A_326 = arith.constant dense<0.000000e+00> : vector<128x1xf32>
    %dot_general3A_327 = tpu.matmul %slice3A_325, %mul3A_57, %dot_general3A_326 {dimension_numbers = #tpu.dot_dimension_numbers<[1], [0], [0], [1], [0, 0, 1, 1], [], []>, transpose_lhs_hint = false} : vector<128x1024xf32>, vector<1024x1xf32>, vector<128x1xf32> -> vector<128x1xf32>
    %get3A_328 = arith.constant 0 : index
    %get3A_329 = arith.constant 0 : index
    %get3A_330 = vector.load %arg10[%get3A_328, %get3A_329] : memref<2x128xf32, #tpu.memory_space<vmem>>, vector<2x128xf32>
    %dot_general3A_331 = arith.constant dense<0.000000e+00> : vector<2x1xf32>
    %dot_general3A_332 = tpu.matmul %get3A_330, %dot_general3A_327, %dot_general3A_331 {dimension_numbers = #tpu.dot_dimension_numbers<[1], [0], [0], [1], [0, 0, 1, 1], [], []>, transpose_lhs_hint = false} : vector<2x128xf32>, vector<128x1xf32>, vector<2x1xf32> -> vector<2x1xf32>
    %slice3A_333 = vector.extract_strided_slice %dot_general3A_332 {offsets = [0, 0], sizes = [1, 1], strides = [1, 1]} : vector<2x1xf32> to vector<1x1xf32>
    %slice3A_334 = vector.extract_strided_slice %dot_general3A_332 {offsets = [1, 0], sizes = [1, 1], strides = [1, 1]} : vector<2x1xf32> to vector<1x1xf32>
    %concatenate3A_335 = tpu.concatenate %slice3A_324, %slice3A_333, %slice3A_334, %broadcast_in_dim3A_59 in 1 : vector<1x2048xf32>, vector<1x1xf32>, vector<1x1xf32>, vector<1x126xf32> -> vector<1x2176xf32>
    %mul3A_336 = arith.constant 16 : i32
    %mul3A_337 = arith.muli %arg0, %mul3A_336 : i32
    %add3A_338 = arith.constant 14 : i32
    %add3A_339 = arith.addi %mul3A_337, %add3A_338 : i32
    %swap3A_340 = arith.index_cast %add3A_339 : i32 to index
    %swap3A_341 = arith.constant 0 : index
    %swap3A_342 = vector.load %arg11[%swap3A_340, %swap3A_341] : memref<16x2176xf32, #tpu.memory_space<vmem>>, vector<1x2176xf32>
    tpu.vector_store %arg11[%swap3A_340, %swap3A_341], %concatenate3A_335 {strides = array<i32>} : memref<16x2176xf32, #tpu.memory_space<vmem>>, vector<1x2176xf32>,
    %slice3A_343 = vector.extract_strided_slice %dot_general3A_52 {offsets = [0, 30720], sizes = [1, 2048], strides = [1, 1]} : vector<1x32768xf32> to vector<1x2048xf32>
    %slice3A_344 = vector.extract_strided_slice %mul3A_47 {offsets = [0, 30720], sizes = [128, 1024], strides = [1, 1]} : vector<128x32768xf32> to vector<128x1024xf32>
    %dot_general3A_345 = arith.constant dense<0.000000e+00> : vector<128x1xf32>
    %dot_general3A_346 = tpu.matmul %slice3A_344, %mul3A_57, %dot_general3A_345 {dimension_numbers = #tpu.dot_dimension_numbers<[1], [0], [0], [1], [0, 0, 1, 1], [], []>, transpose_lhs_hint = false} : vector<128x1024xf32>, vector<1024x1xf32>, vector<128x1xf32> -> vector<128x1xf32>
    %get3A_347 = arith.constant 0 : index
    %get3A_348 = arith.constant 0 : index
    %get3A_349 = vector.load %arg10[%get3A_347, %get3A_348] : memref<2x128xf32, #tpu.memory_space<vmem>>, vector<2x128xf32>
    %dot_general3A_350 = arith.constant dense<0.000000e+00> : vector<2x1xf32>
    %dot_general3A_351 = tpu.matmul %get3A_349, %dot_general3A_346, %dot_general3A_350 {dimension_numbers = #tpu.dot_dimension_numbers<[1], [0], [0], [1], [0, 0, 1, 1], [], []>, transpose_lhs_hint = false} : vector<2x128xf32>, vector<128x1xf32>, vector<2x1xf32> -> vector<2x1xf32>
    %slice3A_352 = vector.extract_strided_slice %dot_general3A_351 {offsets = [0, 0], sizes = [1, 1], strides = [1, 1]} : vector<2x1xf32> to vector<1x1xf32>
    %slice3A_353 = vector.extract_strided_slice %dot_general3A_351 {offsets = [1, 0], sizes = [1, 1], strides = [1, 1]} : vector<2x1xf32> to vector<1x1xf32>
    %concatenate3A_354 = tpu.concatenate %slice3A_343, %slice3A_352, %slice3A_353, %broadcast_in_dim3A_59 in 1 : vector<1x2048xf32>, vector<1x1xf32>, vector<1x1xf32>, vector<1x126xf32> -> vector<1x2176xf32>
    %mul3A_355 = arith.constant 16 : i32
    %mul3A_356 = arith.muli %arg0, %mul3A_355 : i32
    %add3A_357 = arith.constant 15 : i32
    %add3A_358 = arith.addi %mul3A_356, %add3A_357 : i32
    %swap3A_359 = arith.index_cast %add3A_358 : i32 to index
    %swap3A_360 = arith.constant 0 : index
    %swap3A_361 = vector.load %arg11[%swap3A_359, %swap3A_360] : memref<16x2176xf32, #tpu.memory_space<vmem>>, vector<1x2176xf32>
    tpu.vector_store %arg11[%swap3A_359, %swap3A_360], %concatenate3A_354 {strides = array<i32>} : memref<16x2176xf32, #tpu.memory_space<vmem>>, vector<1x2176xf32>,
    return
  }
  func.func @transform_0(%arg0: i32) -> (i32, i32, i32) {
    %c0_i32 = arith.constant 0 : i32
    %c0_i32_0 = arith.constant 0 : i32
    %c0_i32_1 = arith.constant 0 : i32
    return %arg0, %c0_i32, %c0_i32_0 : i32, i32, i32
  }
  func.func @transform_1(%arg0: i32) -> (i32, i32, i32) {
    %c0_i32 = arith.constant 0 : i32
    %c0_i32_0 = arith.constant 0 : i32
    %c0_i32_1 = arith.constant 0 : i32
    return %arg0, %c0_i32, %c0_i32_0 : i32, i32, i32
  }
  func.func @transform_2(%arg0: i32) -> (i32, i32) {
    %c0_i32 = arith.constant 0 : i32
    %c0_i32_0 = arith.constant 0 : i32
    %c0_i32_1 = arith.constant 0 : i32
    return %c0_i32, %c0_i32_0 : i32, i32
  }
  func.func @transform_3(%arg0: i32) -> (i32, i32) {
    %c0_i32 = arith.constant 0 : i32
    %c0_i32_0 = arith.constant 0 : i32
    %c0_i32_1 = arith.constant 0 : i32
    return %c0_i32, %c0_i32_0 : i32, i32
  }
  func.func @transform_4(%arg0: i32) -> (i32, i32) {
    %c0_i32 = arith.constant 0 : i32
    %c0_i32_0 = arith.constant 0 : i32
    %c0_i32_1 = arith.constant 0 : i32
    return %c0_i32, %c0_i32_0 : i32, i32
  }
  func.func @transform_5(%arg0: i32) -> (i32, i32) {
    %c0_i32 = arith.constant 0 : i32
    %c0_i32_0 = arith.constant 0 : i32
    %c0_i32_1 = arith.constant 0 : i32
    return %c0_i32, %c0_i32_0 : i32, i32
  }
  func.func @transform_6(%arg0: i32) -> (i32, i32) {
    %c0_i32 = arith.constant 0 : i32
    %c0_i32_0 = arith.constant 0 : i32
    %c0_i32_1 = arith.constant 0 : i32
    return %c0_i32, %c0_i32_0 : i32, i32
  }
  func.func @transform_7(%arg0: i32) -> (i32, i32) {
    %c0_i32 = arith.constant 0 : i32
    %c0_i32_0 = arith.constant 0 : i32
    %c0_i32_1 = arith.constant 0 : i32
    return %c0_i32, %c0_i32_0 : i32, i32
  }
  func.func @transform_8(%arg0: i32) -> (i32, i32) {
    %c0_i32 = arith.constant 0 : i32
    %c0_i32_0 = arith.constant 0 : i32
    %c0_i32_1 = arith.constant 0 : i32
    return %c0_i32, %c0_i32_0 : i32, i32
  }
  func.func @transform_9(%arg0: i32) -> (i32, i32) {
    %c0_i32 = arith.constant 0 : i32
    %c0_i32_0 = arith.constant 0 : i32
    %c0_i32_1 = arith.constant 0 : i32
    return %c0_i32, %c0_i32_0 : i32, i32
  }
  func.func @transform_10(%arg0: i32) -> (i32, i32) {
    %c0_i32 = arith.constant 0 : i32
    %c0_i32_0 = arith.constant 0 : i32
    %c0_i32_1 = arith.constant 0 : i32
    return %c0_i32, %c0_i32_0 : i32, i32
  }
}

</mosaic_0001>

<sc_bundles>
// kernel: kernel.4.cloned.1.call-start
scs
__scs_entry_jumppad:
0x0: {  	(pc) =	sbr.rel $0x88, $3  }
0x1: {  	(tag) =	ssettag $0x0;
	lr =	simm.s32 $0x1  }
0x2: {  	[smem:$0x3F97] =	sst lr;
	_ =	strace $0xD0000000  }
0x3: {  	_ = 	snop  }
0x4: {  	_ = 	snop  }
0x5: {  	_ = 	snop  }
0x6: {  	_ = 	snop  }
0x7: {  	_ = 	snop  }
__scs_overlays_trampoline_lowered:
0x8: {  	[smem:$0x3FA6] =	sst s0  }
0x9: {  	[smem:$0x3FA7] =	sst s1  }
0xa: {  	[smem:$0x3FA8] =	sst s2  }
0xb: {  	[smem:$0x3FA9] =	sst s3  }
0xc: {  	[smem:$0x3FAA] =	sst s4  }
0xd: {  	[smem:$0x3FAB] =	sst s5  }
0xe: {  	[smem:$0x3FAC] =	sst s6  }
0xf: {  	[smem:$0x3FAD] =	sst s7  }
0x10: {  	[smem:$0x3FAE] =	sst s8  }
0x11: {  	[smem:$0x3FAF] =	sst s9;
	s0 =	simm.s32 @!p0 $0x0  }
0x12: {  	s1 =	sld [smem:$0x3F95];
	s0 =	simm.s32 @p0 $0x1  }
0x13: {  	[smem:$0x3FB0] =	sst s0;
	s0 =	simm.s32 @!p1 $0x0  }
0x14: {  	s2 =	sld [smem:$0x3F94];
	s0 =	simm.s32 @p1 $0x1  }
0x15: {  	[smem:$0x3FB1] =	sst s0;
	s0 =	simm.s32 @!p2 $0x0  }
0x16: {  	s3 =	sld [smem:$0x3FDB];
	s0 =	simm.s32 @p2 $0x1  }
0x17: {  	s4 =	simm.s32 $0x1BF5;
	[smem:$0x3FB3] =	sst s0  }
0x18: {  	s0 =	sld [smem:$0x3F96];
	_ =	swait.ge [sflag:s4], $0x0  }
0x19: {  	s7 =	sld [smem:$0x3F97]  }
0x1a: {  	s8 =	sadd.s32 $0xFFFFE003, lr  }
0x1b: {  	s9 =	sadd.s32 $0xFFFFFEF7, lr;
	s5 =	simm.s32 $0xFFFFFFFF;
	p2 =	slt.u32 s8, $0xFFFFF086  }
0x1c: {  	p1 =	slt.u32 s9, $0xF7A;
	s5 =	simm.s32 @!p2 $0x0  }
0x1d: {  	s5 =	simm.s32 @p1 $0x1;
	p0 =	seq.s32 s7, s2  }
0x1e: {  	s7 =	smul.u32 @!p0 $0xF7A, s2;
	p2 =	seq.s32 @!p0 s5, $0x0  }
0x1f: {  	s9 =	smul.u32 $0xF7A, s1;
	s8 =	simm.s32 @!p0 $0x1BF5;
	p2 =	por !p2, p0  }
0x20: {  	[sflag:s8] =	ssyncset.s32 @!p0 $0xFFFFF086;
	s6 =	sadd.s32 @!p0 s3, s7;
	s7 =	simm.s32 @!p0 $0x108  }
0x21: {  	s3 =	sadd.s32 s3, s9;
	s6 =	sadd.s32 @!p0 $0x88, s6;
	s7 =	simm.s32 @p2 $0x1082  }
0x22: {  	[simem:s7], [sflag:s8] =	dma.local @!p0 [hbm:s6], $0xF7A  }
0x23: {  	s9 =	sor.u32 $0xD0000000, s2;
	s6 =	simm.s32 $0x108;
	_ =	swait.ge @!p0 [sflag:s8], $0x0  }
0x24: {  	s3 =	sadd.s32 $0x88, s3;
	s6 =	simm.s32 @!p1 $0x1082;
	[sflag:s4] =	ssyncset.s32 $0xFFFFF086  }
0x25: {  	[simem:s6], [sflag:s4] =	dma.local [hbm:s3], $0xF7A  }
0x26: {  	[smem:$0x3F97] =	sst s1;
	(tag) =	ssettag s2;
	_ =	strace s9  }
0x27: {  	s1 =	sld [smem:$0x3FA7]  }
0x28: {  	s2 =	sld [smem:$0x3FA8]  }
0x29: {  	s4 =	sld [smem:$0x3FAA]  }
0x2a: {  	p0 =	seq.s32 s5, $0x0;
	s5 =	sld [smem:$0x3FAB]  }
0x2b: {  	s6 =	sld [smem:$0x3FAC]  }
0x2c: {  	s7 =	sld [smem:$0x3FAD]  }
0x2d: {  	s3 =	simm.s32 $0x108;
	s8 =	sld [smem:$0x3FAE]  }
0x2e: {  	s3 =	simm.s32 @!p0 $0x1082;
	s9 =	sld [smem:$0x3FAF]  }
0x2f: {  	lr =	sadd.s32 s0, s3;
	s0 =	sld [smem:$0x3FA6]  }
0x30: {  	s3 =	sld [smem:$0x3FA9]  }
0x31: {  	[smem:$0x3FB2] =	sst s10  }
0x32: {  	s10 =	sld [smem:$0x3FB0];
	_ =	sdelay $0x3  }
0x33: {  	p0 =	seq.s32 s10, $0x1;
	s10 =	sld [smem:$0x3FB2];
	_ =	sdelay $0x3  }
0x34: {  	[smem:$0x3FB2] =	sst s10  }
0x35: {  	s10 =	sld [smem:$0x3FB1];
	_ =	sdelay $0x3  }
0x36: {  	p1 =	seq.s32 s10, $0x1;
	s10 =	sld [smem:$0x3FB2];
	_ =	sdelay $0x3  }
0x37: {  	[smem:$0x3FB2] =	sst s10  }
0x38: {  	s10 =	sld [smem:$0x3FB3]  }
0x39: {  	_ = 	snop;
	(pc) =	sbr.ind lr, $3  }
0x3a: {  	_ = 	snop  }
0x3b: {  	_ = 	snop  }
0x3c: {  	p2 =	seq.s32 s10, $0x1;
	s10 =	sld [smem:$0x3FB2]  }
0x3d: {  	_ =	shalt  }
0x3e: {  	_ =	shalt  }
0x3f: {  	_ =	shalt  }
0x40: {  	_ =	shalt  }
0x41: {  	_ =	shalt  }
0x42: {  	_ =	shalt  }
0x43: {  	_ =	shalt  }
0x44: {  	_ =	shalt  }
0x45: {  	_ =	shalt  }
0x46: {  	_ =	shalt  }
0x47: {  	_ =	shalt  }
0x48: {  	_ =	shalt  }
0x49: {  	_ =	shalt  }
0x4a: {  	_ =	shalt  }
0x4b: {  	_ =	shalt  }
0x4c: {  	_ =	shalt  }
0x4d: {  	_ =	shalt  }
0x4e: {  	_ =	shalt  }
0x4f: {  	_ =	shalt  }
0x50: {  	_ =	shalt  }
0x51: {  	_ =	shalt  }
0x52: {  	_ =	shalt  }
0x53: {  	_ =	shalt  }
0x54: {  	_ =	shalt  }
0x55: {  	_ =	shalt  }
0x56: {  	_ =	shalt  }
0x57: {  	_ =	shalt  }
0x58: {  	_ =	shalt  }
0x59: {  	_ =	shalt  }
0x5a: {  	_ =	shalt  }
0x5b: {  	_ =	shalt  }
0x5c: {  	_ =	shalt  }
0x5d: {  	_ =	shalt  }
0x5e: {  	_ =	shalt  }
0x5f: {  	_ =	shalt  }
0x60: {  	_ =	shalt  }
0x61: {  	_ =	shalt  }
0x62: {  	_ =	shalt  }
0x63: {  	_ =	shalt  }
0x64: {  	_ =	shalt  }
0x65: {  	_ =	shalt  }
0x66: {  	_ =	shalt  }
0x67: {  	_ =	shalt  }
0x68: {  	_ =	shalt  }
0x69: {  	_ =	shalt  }
0x6a: {  	_ =	shalt  }
0x6b: {  	_ =	shalt  }
0x6c: {  	_ =	shalt  }
0x6d: {  	_ =	shalt  }
0x6e: {  	_ =	shalt  }
0x6f: {  	_ =	shalt  }
0x70: {  	_ =	shalt  }
0x71: {  	_ =	shalt  }
0x72: {  	_ =	shalt  }
0x73: {  	_ =	shalt  }
0x74: {  	_ =	shalt  }
0x75: {  	_ =	shalt  }
0x76: {  	_ =	shalt  }
0x77: {  	_ =	shalt  }
0x78: {  	_ =	shalt  }
0x79: {  	_ =	shalt  }
0x7a: {  	_ =	shalt  }
0x7b: {  	_ =	shalt  }
0x7c: {  	_ =	shalt  }
0x7d: {  	_ =	shalt  }
0x7e: {  	_ =	shalt  }
0x7f: {  	_ =	shalt  }
0x80: {  	_ =	shalt  }
0x81: {  	_ =	shalt  }
0x82: {  	_ =	shalt  }
0x83: {  	_ =	shalt  }
0x84: {  	_ =	shalt  }
0x85: {  	_ =	shalt  }
0x86: {  	_ =	shalt  }
0x87: {  	_ =	shalt  }
.Lfunc_end0:
.L_simem_size_0:
called_computation_lowered:
.L_overlay_start_0:
0x88: {  	s2 =	sld [smem:$0x3FD9]  }
0x89: {  	s3 =	sld [smem:$0x3FFE];
	_ =	sdelay $0x1  }
0x8a: {  	s1 =	srdreg.scid  }
0x8b: {  	s0 =	sand.u32 $0x1, s1  }
0x8c: {  	s17 =	sshll.u32 s0, $0xA;
	s2 =	sadd.s32 s3, s2  }
0x8d: {  	s2 =	sadd.s32 s2, s17  }
0x8e: {  	[smem:$0x3FBE] =	sst s2  }
0x8f: {  	_ = 	snop  }
0x90: {  	s2 =	sld [smem:$0x3FD0];
	(tm) =	ssettm $0x1  }
0x91: {  	s18 =	sld [smem:$0x3FFB];
	_ =	sdelay $0x3  }
0x92: {  	_ =	strace s18  }
0x93: {  	s3 =	sld [smem:$0x3FFC];
	_ =	sdelay $0x3  }
0x94: {  	_ =	strace s3  }
0x95: {  	s3 =	sld [smem:$0x3FFD];
	_ =	sdelay $0x3  }
0x96: {  	_ =	strace s3  }
0x97: {  	_ =	strace $0x8FFFFFFF  }
0x98: {  	s19 =	sld [smem:$0x3FDB];
	_ =	sdelay $0x1  }
0x99: {  	s4 =	simm.s32 $_scs_section_size  }
0x9a: {  	s5 =	simm.s32 $_size__tile_overlayer_lowered;
	s6 =	simm.s32 $_tile_overlayer_lowered  }
0x9b: {  	s22 =	simm.s32 $0x1BFF;
	s21 =	sshll.u32 s6, $0x1;
	s3 =	sadd.s32 s4, s19  }
0x9c: {  	s7 =	simm.s32 $0x0;
	s20 =	sshll.u32 s5, $0x1;
	s5 =	sadd.s32 s21, s3  }
0x9d: {  	[timem:s7], [sflag:s22] =	dma.local [hbm:s5], s20  }
0x9e: {  	_ =	swait.ge [sflag:s22], s20  }
0x9f: {  	s4 =	ssub.s32 $0x0, s20;
	[sflag:s22] =	ssyncset.done $0x0  }
0xa0: {  	[sflag:s22] =	ssyncadd.s32 s4;
	_ =	sdelay $0x1  }
0xa1: {  	s23 =	simm.s32 $0x1B8B  }
0xa2: {  	_ =	swait.ge [sflag:s23], $0x1  }
0xa3: {  	[sflag:s23] =	ssyncset.done $0x0  }
0xa4: {  	s25 =	simm.s32 $0x1B8E;
	s24 =	sld [smem:$0x3FFE];
	[sflag:s23] =	ssyncadd.s32 $0xFFFFFFFF  }
0xa5: {  	s26 =	simm.s32 $execute0_lowered;
	[smem:$0x3FD2] =	sst s25  }
0xa6: {  	s5 =	sshll.u32 s26, $0x1;
	_ =	strace $0x80000046;
	[dreg:$0x1] =	wrdreg $0xFFFFFFFF  }
0xa7: {  	s28 =	simm.s32 $_size_execute0_lowered;
	s3 =	sadd.s32 s3, s5;
	[dreg:$0x0] =	wrdreg $0x0  }
0xa8: {  	s5 =	sshll.u32 s28, $0x1;
	[dreg:$0x2] =	wrdreg s3  }
0xa9: {  	[dreg:$0x3] =	wrdreg s5  }
0xaa: {  	[dreg:$0x4] =	wrdreg $0xC0  }
0xab: {  	_ =	task [dreg:s7], $0x5FFFF  }
0xac: {  	[dreg:$0x1] =	wrdreg $0xFFFFFFFF  }
0xad: {  	[dreg:$0x0] =	wrdreg $0x60  }
0xae: {  	[dreg:$0x2] =	wrdreg s24  }
0xaf: {  	[dreg:$0x3] =	wrdreg s2  }
0xb0: {  	[dreg:$0x4] =	wrdreg $0x9  }
0xb1: {  	_ =	task.clear_ibuf [dreg:s7], $0x5FFFF;
	_ =	strace $0x90000046  }
0xb2: {  	s29 =	simm.s32 $0x9;
	_ =	strace $0x80000048  }
0xb3: {  	_ =	swait.ge [sflag:s29], $0x1  }
0xb4: {  	[sflag:s29] =	ssyncadd.s32 $0xFFFFFFFF  }
0xb5: {  	_ =	strace $0x90000048  }
0xb6: {  	_ =	sfence  }
0xb7: {  	s30 =	sld [smem:$0x0];
	_ =	sdelay $0x2  }
0xb8: {  	s31 =	sshll.u32 s1, $0xD;
	s1 =	sshrl.u32 s1, $0x2  }
0xb9: {  	s3 =	sand.u32 $0x4000, s31;
	s1 =	sadd.s32 s1, s30  }
0xba: {  	s0 =	sor.u32 s3, s0;
	s1 =	sshll.u32 s1, $0x11  }
0xbb: {  	s0 =	sor.u32 s1, s0  }
0xbc: {  	s0 =	sadd.s32 $0x8F2B, s0  }
0xbd: {  	[sflag:s0] =	ssyncadd.remote.s32 $0x1  }
0xbe: {  	_ =	sfence.sel $0xFFFF  }
0xbf: {  	[dreg:$0x0] =	wrdreg $0xFFFFFFFF;
	(pc) =	sbr.abs _section_cstart, $3  }
0xc0: {  	[dreg:$0x1] =	wrdreg $0xFFFFFFFF  }
0xc1: {  	_ =	task.clear_ibuf [dreg:s7], $0x2FFFF;
	_ =	strace $0x9FFFFFFF  }
0xc2: {  	(tm) =	ssettm $0x7FFFFFFF  }
0xc3: {  	_ =	shalt  }
tec
execute0_lowered:
.L_overlay_start_1:
0x0: {  	(tag) =	ssettag $0x1  }
0x1: {  	s1 =	stileid.u32  }
0x2: {  	p0 =	sgt.u32 s1, $0x7  }
.Ltmp0:
0x3: {  	_ = 	snop;
	(pc) =	sbr.rel @p0 .LBB2_9-.Ltmp0, $4  }
0x4: {  	s3 =	rddreg [dreg:$0x0]  }
0x5: {  	s4 =	rddreg [dreg:$0x1];
	s2 =	simm.s32 $0x0  }
0x6: {  	[smem:$0x7FF] =	sst s2  }
0x7: {  	s0 =	rddreg [dreg:$0x2];
	_ =	strace $0x80000047  }
0x8: {  	v0 =	vimm.s32 $0xFEDCBA98;
	v1 =	vimm.s32 $0x76543210  }
0x9: {  	v2 =	vimm.s32 $0x3210FEDC;
	v3 =	vimm.s32 $0xBA987654;
	v4 =	vimm.s32 $0x10FEDCBA  }
0xa: {  	v5 =	vimm.s32 $0x98765432;
	v6 =	vimm.s32 $0xFEDCBA9;
	v7 =	vimm.s32 $0x87654321  }
0xb: {  	v0 =	vunpack.c.l.s4.s8 v0;
	v1 =	vunpack.c.l.s4.s8 v1;
	v2 =	vunpack.c.l.s4.s8 v2  }
0xc: {  	s5 =	srdreg.scid;
	s6 =	sshrl.u32 s1, $0x2;
	s7 =	sshll.u32 s1, $0x8;
	v3 =	vunpack.c.l.s4.s8 v3;
	v4 =	vunpack.c.l.s4.s8 v4;
	v5 =	vunpack.c.l.s4.s8 v5  }
0xd: {  	s31 =	sadd.s32 $0x1800, s3;
	s5 =	sand.u32 $0x1, s5;
	s6 =	smul.u32 $0x4400, s6;
	v6 =	vunpack.c.l.s4.s8 v6;
	v7 =	vunpack.c.l.s4.s8 v7;
	v0 =	vunpack.c.0.s8.s32 v0  }
0xe: {  	s7 =	sand.u32 $0x300, s7;
	s8 =	sshll.u32 s5, $0x7;
	s5 =	ssub.s32 $0x2, s5;
	v1 =	vunpack.c.0.s8.s32 v1;
	v2 =	vunpack.c.0.s8.s32 v2;
	v3 =	vunpack.c.0.s8.s32 v3  }
0xf: {  	s9 =	simm.s32 $0x880;
	s7 =	sor.u32 s8, s7;
	v4 =	vunpack.c.0.s8.s32 v4;
	s30 =	sshrl.u32 s5, $0x1;
	v5 =	vunpack.c.0.s8.s32 v5;
	v0 =	vand.u32 $0xF, v0  }
0x10: {  	v6 =	vunpack.c.0.s8.s32 v6;
	v7 =	vunpack.c.0.s8.s32 v7;
	s8 =	simm.s32 $0x1;
	s6 =	sor.u32 s6, s7;
	s5 =	ssub.s32 s5, s30;
	v0 =	vcombine.low v0, v1  }
0x11: {  	vm0 =	vmmov $0x1;
	s7 =	simm.s32 $0x400;
	s6 =	sshrl.u32 s6, $0x3;
	s5 =	smax.u32 s5, $0x1;
	v1 =	vcombine.low v3, v2;
	v2 =	vcombine.low v5, v4  }
0x12: {  	s3 =	sadd.s32 s4, s6;
	s4 =	sadd.s32 s31, s6;
	s6 =	simm.s32 $0x80;
	v3 =	vcombine.low v7, v6;
	v4 =	vimm.s32 $0x0;
	v5 =	vimm.s32 $0x1  }
.LBB2_2:
0x13: {  	s10 =	simm.s32 $0x0  }
0x14: {  	[tilespmem:s10], [sflag:$0x1] =	stream.strided.gather [hbm4b:s4+s6], $0x880, s7, s6, $0x38;
	[tilespmem:$0x1100] =	vst v63  }
0x15: {  	_ =	swait.ge [sflag:s8], $0x880  }
0x16: {  	[sflag:s8] =	ssyncset.done $0x0  }
0x17: {  	s12 =	simm.s32 $0x0;
	[sflag:s8] =	ssyncadd.s32 $0xFFFFF780  }
0x18: {  	v8 =	vld [tilespmem:s12+$0x0]  }
0x19: {  	v9 =	vld [tilespmem:s12+$0x10]  }
0x1a: {  	v10 =	vld [tilespmem:s12+$0x20]  }
0x1b: {  	v6 =	vld [tilespmem:s12+$0x30]  }
0x1c: {  	v11 =	vimm.f32 $-3.000000010e+38;
	v7 =	vld [tilespmem:s12+$0x40]  }
0x1d: {  	v11 =	vmax.f32 v11, v8;
	v8 =	vld [tilespmem:s12+$0x50]  }
0x1e: {  	v11 =	vmax.f32 v11, v9;
	v9 =	vld [tilespmem:s12+$0x60]  }
0x1f: {  	s11 =	simm.s32 $0x400;
	s10 =	simm.s32 $0x80;
	v11 =	vmax.f32 v11, v10;
	v10 =	vld [tilespmem:s12+$0x70]  }
.LBB2_3:
0x20: {  	p0 =	sne.s32 s11, $0x1E00;
	v12 =	vld [tilespmem:s10+$0x0];
	v6 =	vmax.f32 v11, v6  }
0x21: {  	v11 =	vld [tilespmem:s10+$0x10];
	v6 =	vmax.f32 v6, v7  }
0x22: {  	v13 =	vld [tilespmem:s10+$0x20];
	v7 =	vmax.f32 v6, v8  }
.Ltmp1:
0x23: {  	v6 =	vld [tilespmem:s10+$0x30];
	v8 =	vmax.f32 v7, v9;
	(pc) =	sbr.rel @p0 .LBB2_3-.Ltmp1, $4  }
0x24: {  	v7 =	vld [tilespmem:s10+$0x40];
	v8 =	vmax.f32 v8, v10  }
0x25: {  	v9 =	vmax.f32 v8, v12;
	v8 =	vld [tilespmem:s10+$0x50]  }
0x26: {  	v10 =	vmax.f32 v9, v11;
	v9 =	vld [tilespmem:s10+$0x60]  }
0x27: {  	v11 =	vmax.f32 v10, v13;
	v10 =	vld [tilespmem:s10+$0x70];
	s10 =	sshra.s32 s11, $0x2;
	s11 =	sadd.s32 $0x200, s11  }
0x28: {  	v12 =	vld [tilespmem:s10+$0x0];
	v6 =	vmax.f32 v11, v6  }
0x29: {  	v11 =	vld [tilespmem:s10+$0x10];
	v6 =	vmax.f32 v6, v7  }
0x2a: {  	v7 =	vld [tilespmem:s10+$0x20];
	v6 =	vmax.f32 v6, v8  }
0x2b: {  	v8 =	vld [tilespmem:s10+$0x30];
	v6 =	vmax.f32 v6, v9  }
0x2c: {  	v9 =	vld [tilespmem:s10+$0x40];
	v6 =	vmax.f32 v6, v10  }
0x2d: {  	v10 =	vld [tilespmem:s10+$0x50];
	v6 =	vmax.f32 v6, v12  }
0x2e: {  	v6 =	vmax.f32 v6, v11;
	v11 =	vld [tilespmem:s10+$0x60]  }
0x2f: {  	v6 =	vmax.f32 v6, v7;
	v7 =	vld [tilespmem:s10+$0x70]  }
0x30: {  	v6 =	vmax.f32 v6, v8  }
0x31: {  	v6 =	vmax.f32 v6, v9  }
0x32: {  	v6 =	vmax.f32 v6, v10  }
0x33: {  	v6 =	vmax.f32 v6, v11  }
0x34: {  	v6 =	vmax.f32 v6, v7  }
0x35: {  	v7 =	vperm.xlane v6, v0;
	_ =	sdelay $0x1  }
0x36: {  	v6 =	vmax.f32 v6, v7  }
0x37: {  	v7 =	vperm.xlane v6, v1;
	_ =	sdelay $0x1  }
0x38: {  	v6 =	vmax.f32 v6, v7  }
0x39: {  	s30 =	simm.s32 $0x0;
	v7 =	vperm.xlane v6, v2  }
0x3a: {  	v8 =	vld [tilespmem:s30+$0x0]  }
0x3b: {  	v6 =	vmax.f32 v6, v7  }
0x3c: {  	v9 =	vld [tilespmem:s30+$0x10];
	v7 =	vperm.xlane v6, v3;
	_ =	sdelay $0x1  }
0x3d: {  	v6 =	vmax.f32 v6, v7  }
0x3e: {  	v7 =	vld [tilespmem:s30+$0x20];
	v8 =	vsub.f32 v8, v6;
	_ =	sdelay $0x1  }
0x3f: {  	v10 =	vld [tilespmem:s30+$0x30];
	v9 =	vsub.f32 v9, v6;
	v8 =	vmul.f32 $1.442695020e+00, v8  }
0x40: {  	v11 =	vld [tilespmem:s30+$0x40]  }
0x41: {  	v9 =	vmul.f32 $1.442695020e+00, v9;
	(erf) = vpow2.f32 v8;
	v8 =	vld [tilespmem:s30+$0x50]  }
0x42: {  	v7 =	vsub.f32 v7, v6  }
0x43: {  	(erf) = vpow2.f32 v9  }
0x44: {  	v10 =	vsub.f32 v10, v6;
	v7 =	vmul.f32 $1.442695020e+00, v7  }
0x45: {  	v11 =	vsub.f32 v11, v6  }
0x46: {  	v10 =	vmul.f32 $1.442695020e+00, v10;
	v9 =	vld [tilespmem:s30+$0x60];
	(erf) = vpow2.f32 v7;
	v7 =	vsub.f32 v8, v6  }
0x47: {  	v8 =	vmul.f32 $1.442695020e+00, v11  }
0x48: {  	(erf) = vpow2.f32 v10;
	v10 =	vld [tilespmem:s30+$0x70];
	v7 =	vmul.f32 $1.442695020e+00, v7  }
0x49: {  	s31 =	simm.s32 $0x80  }
0x4a: {  	v11 =	vld [tilespmem:s31+$0x0];
	(erf) = vpow2.f32 v8;
	v8 =	vimm.f32 $0.0e+00;
	v12 =	vpop (erf)  }
0x4b: {  	v9 =	vsub.f32 v9, v6;
	v8 =	vadd.f32 v12, v8  }
0x4c: {  	v13 =	vld [tilespmem:s31+$0x10];
	(erf) = vpow2.f32 v7;
	v7 =	vpop (erf)  }
0x4d: {  	v9 =	vmul.f32 $1.442695020e+00, v9;
	v12 =	vld [tilespmem:s31+$0x20];
	v7 =	vadd.f32 v7, v8;
	v8 =	vsub.f32 v10, v6;
	_ =	sdelay $0x1  }
0x4e: {  	(erf) = vpow2.f32 v9;
	v11 =	vsub.f32 v11, v6;
	v10 =	vpop (erf);
	v8 =	vmul.f32 $1.442695020e+00, v8  }
0x4f: {  	v9 =	vld [tilespmem:s31+$0x30];
	v7 =	vadd.f32 v10, v7  }
0x50: {  	v11 =	vmul.f32 $1.442695020e+00, v11;
	v10 =	vsub.f32 v13, v6;
	v13 =	vld [tilespmem:s31+$0x40];
	v14 =	vpop (erf);
	(erf) = vpow2.f32 v8  }
0x51: {  	v7 =	vadd.f32 v14, v7;
	v8 =	vsub.f32 v12, v6  }
0x52: {  	v14 =	vld [tilespmem:s31+$0x50];
	v10 =	vmul.f32 $1.442695020e+00, v10;
	v12 =	vpop (erf);
	(erf) = vpow2.f32 v11  }
0x53: {  	v7 =	vadd.f32 v12, v7;
	v12 =	vmul.f32 $1.442695020e+00, v8  }
0x54: {  	v11 =	vsub.f32 v9, v6;
	v9 =	vld [tilespmem:s31+$0x60];
	(erf) = vpow2.f32 v10  }
0x55: {  	v13 =	vsub.f32 v13, v6;
	v8 =	vpop (erf)  }
0x56: {  	v15 =	vmul.f32 $1.442695020e+00, v11;
	(erf) = vpow2.f32 v12;
	v16 =	vadd.f32 v8, v7;
	v8 =	vld [tilespmem:s31+$0x70]  }
0x57: {  	s10 =	simm.s32 $0x100;
	v10 =	vsub.f32 v14, v6;
	v12 =	vpop (erf)  }
0x58: {  	s11 =	simm.s32 $0x600;
	v7 =	vld [tilespmem:s10+$0x0];
	v11 =	vmul.f32 $1.442695020e+00, v13;
	(erf) = vpow2.f32 v15;
	v12 =	vadd.f32 v12, v16  }
.LBB2_5:
0x59: {  	p0 =	sne.s32 s11, $0x1E00;
	v9 =	vsub.f32 v9, v6;
	v13 =	vpop (erf)  }
0x5a: {  	v15 =	vmul.f32 $1.442695020e+00, v10;
	v14 =	vld [tilespmem:s10+$0x10];
	(erf) = vpow2.f32 v11;
	v11 =	vadd.f32 v13, v12  }
0x5b: {  	v8 =	vsub.f32 v8, v6;
	v12 =	vpop (erf)  }
0x5c: {  	v9 =	vmul.f32 $1.442695020e+00, v9;
	v13 =	vld [tilespmem:s10+$0x20];
	v16 =	vadd.f32 v12, v11;
	(erf) = vpow2.f32 v15  }
0x5d: {  	v7 =	vsub.f32 v7, v6;
	v10 =	vpop (erf)  }
0x5e: {  	v8 =	vmul.f32 $1.442695020e+00, v8;
	v12 =	vld [tilespmem:s10+$0x30];
	v10 =	vadd.f32 v10, v16;
	(erf) = vpow2.f32 v9  }
0x5f: {  	v9 =	vsub.f32 v14, v6;
	v11 =	vpop (erf)  }
0x60: {  	v7 =	vmul.f32 $1.442695020e+00, v7;
	v14 =	vld [tilespmem:s10+$0x40];
	v10 =	vadd.f32 v11, v10;
	(erf) = vpow2.f32 v8  }
0x61: {  	v8 =	vsub.f32 v13, v6;
	v11 =	vpop (erf)  }
0x62: {  	v16 =	vmul.f32 $1.442695020e+00, v9;
	v15 =	vld [tilespmem:s10+$0x50];
	(erf) = vpow2.f32 v7;
	v7 =	vadd.f32 v11, v10  }
0x63: {  	v10 =	vsub.f32 v12, v6;
	v11 =	vpop (erf)  }
.Ltmp2:
0x64: {  	v12 =	vmul.f32 $1.442695020e+00, v8;
	v9 =	vld [tilespmem:s10+$0x60];
	(erf) = vpow2.f32 v16;
	v7 =	vadd.f32 v11, v7;
	(pc) =	sbr.rel @p0 .LBB2_5-.Ltmp2, $4  }
0x65: {  	v11 =	vsub.f32 v14, v6;
	v13 =	vpop (erf)  }
0x66: {  	v14 =	vmul.f32 $1.442695020e+00, v10;
	v8 =	vld [tilespmem:s10+$0x70];
	(erf) = vpow2.f32 v12;
	v12 =	vadd.f32 v13, v7  }
0x67: {  	s10 =	sshra.s32 s11, $0x2;
	v10 =	vsub.f32 v15, v6;
	v13 =	vpop (erf)  }
0x68: {  	s11 =	sadd.s32 $0x200, s11;
	v11 =	vmul.f32 $1.442695020e+00, v11;
	v7 =	vld [tilespmem:s10+$0x0];
	(erf) = vpow2.f32 v14;
	v12 =	vadd.f32 v13, v12  }
0x69: {  	v13 =	vpop (erf)  }
0x6a: {  	v10 =	vmul.f32 $1.442695020e+00, v10;
	(erf) = vpow2.f32 v11;
	v11 =	vadd.f32 v13, v12  }
0x6b: {  	v9 =	vsub.f32 v9, v6;
	v14 =	vld [tilespmem:s10+$0x10];
	v12 =	vpop (erf)  }
0x6c: {  	v11 =	vadd.f32 v12, v11  }
0x6d: {  	v13 =	vld [tilespmem:s10+$0x20];
	v8 =	vsub.f32 v8, v6;
	v9 =	vmul.f32 $1.442695020e+00, v9;
	(erf) = vpow2.f32 v10  }
0x6e: {  	v7 =	vsub.f32 v7, v6;
	v10 =	vpop (erf)  }
0x6f: {  	v8 =	vmul.f32 $1.442695020e+00, v8;
	(erf) = vpow2.f32 v9;
	v10 =	vadd.f32 v10, v11  }
0x70: {  	v9 =	vsub.f32 v14, v6;
	v11 =	vpop (erf)  }
0x71: {  	v12 =	vld [tilespmem:s10+$0x30];
	v7 =	vmul.f32 $1.442695020e+00, v7;
	(erf) = vpow2.f32 v8;
	v10 =	vadd.f32 v11, v10  }
0x72: {  	v14 =	vld [tilespmem:s10+$0x40];
	v8 =	vsub.f32 v13, v6;
	v11 =	vpop (erf)  }
0x73: {  	v9 =	vmul.f32 $1.442695020e+00, v9;
	v13 =	vld [tilespmem:s10+$0x50];
	(erf) = vpow2.f32 v7;
	v7 =	vadd.f32 v11, v10  }
0x74: {  	v11 =	vpop (erf)  }
0x75: {  	(erf) = vpow2.f32 v9;
	v7 =	vadd.f32 v11, v7  }
0x76: {  	v8 =	vmul.f32 $1.442695020e+00, v8;
	v10 =	vsub.f32 v12, v6;
	v11 =	vpop (erf)  }
0x77: {  	v12 =	vld [tilespmem:s10+$0x60];
	v9 =	vsub.f32 v14, v6;
	v7 =	vadd.f32 v11, v7  }
0x78: {  	v14 =	vld [tilespmem:s10+$0x70];
	v10 =	vmul.f32 $1.442695020e+00, v10;
	(erf) = vpow2.f32 v8;
	v8 =	vsub.f32 v13, v6;
	v11 =	vpop (erf)  }
0x79: {  	v9 =	vmul.f32 $1.442695020e+00, v9;
	v7 =	vadd.f32 v11, v7  }
0x7a: {  	(erf) = vpow2.f32 v10;
	v8 =	vmul.f32 $1.442695020e+00, v8;
	v11 =	vpop (erf)  }
0x7b: {  	v7 =	vadd.f32 v11, v7  }
0x7c: {  	v10 =	vsub.f32 v12, v6;
	(erf) = vpow2.f32 v9;
	v11 =	vpop (erf)  }
0x7d: {  	v9 =	vsub.f32 v14, v6;
	v7 =	vadd.f32 v11, v7  }
0x7e: {  	v10 =	vmul.f32 $1.442695020e+00, v10;
	(erf) = vpow2.f32 v8;
	v8 =	vpop (erf)  }
0x7f: {  	v7 =	vadd.f32 v8, v7;
	v8 =	vmul.f32 $1.442695020e+00, v9  }
0x80: {  	(erf) = vpow2.f32 v10  }
0x81: {  	v9 =	vpop (erf)  }
0x82: {  	v7 =	vadd.f32 v9, v7;
	(erf) = vpow2.f32 v8  }
0x83: {  	v8 =	vpop (erf)  }
0x84: {  	v7 =	vadd.f32 v8, v7  }
0x85: {  	v8 =	vpop (erf)  }
0x86: {  	v7 =	vadd.f32 v8, v7  }
0x87: {  	v8 =	vpop (erf)  }
0x88: {  	v7 =	vadd.f32 v8, v7  }
0x89: {  	v8 =	vpop (erf)  }
0x8a: {  	v7 =	vadd.f32 v8, v7  }
0x8b: {  	v8 =	vpop (erf)  }
0x8c: {  	v7 =	vadd.f32 v8, v7;
	_ =	sdelay $0x1  }
0x8d: {  	v8 =	vperm.xlane v7, v0;
	_ =	sdelay $0x1  }
0x8e: {  	v7 =	vadd.f32 v8, v7;
	_ =	sdelay $0x1  }
0x8f: {  	v8 =	vperm.xlane v7, v1;
	_ =	sdelay $0x1  }
0x90: {  	v7 =	vadd.f32 v8, v7;
	_ =	sdelay $0x1  }
0x91: {  	v8 =	vperm.xlane v7, v2;
	_ =	sdelay $0x1  }
0x92: {  	v7 =	vadd.f32 v8, v7;
	_ =	sdelay $0x1  }
0x93: {  	v8 =	vperm.xlane v7, v3;
	_ =	sdelay $0x1  }
0x94: {  	v8 =	vadd.f32 v8, v7;
	_ =	sdelay $0x1  }
0x95: {  	v7 =	vshra.s32 v8, $0x17  }
0x96: {  	v7 =	vadd.s32 $0xFFFFFF81, v7  }
0x97: {  	v7 =	vcvt.s32.f32 v7;
	_ =	sdelay $0x1  }
0x98: {  	v7 =	vmul.f32 $6.931471820e-01, v7;
	_ =	sdelay $0x1  }
0x99: {  	v7 =	vadd.f32 $3.465999960e-01, v7;
	_ =	sdelay $0x1  }
0x9a: {  	v9 =	vsub.f32 $0.0e+00, v7;
	_ =	sdelay $0x1  }
0x9b: {  	v9 =	vmul.f32 $1.442695020e+00, v9;
	_ =	sdelay $0x1  }
0x9c: {  	(erf) = vpow2.f32 v9;
	_ =	sdelay $0x8  }
0x9d: {  	v9 =	vpop (erf)  }
0x9e: {  	v7 =	vadd.f32 $-1.000000000e+00, v7;
	v9 =	vmul.f32 v9, v8;
	_ =	sdelay $0x1  }
0x9f: {  	v7 =	vadd.f32 v9, v7;
	_ =	sdelay $0x1  }
0xa0: {  	v9 =	vsub.f32 $0.0e+00, v7;
	_ =	sdelay $0x1  }
0xa1: {  	v9 =	vmul.f32 $1.442695020e+00, v9;
	_ =	sdelay $0x1  }
0xa2: {  	(erf) = vpow2.f32 v9;
	_ =	sdelay $0x6  }
0xa3: {  	v9 =	vld [tilespmem:$0x800];
	_ =	sdelay $0x1  }
0xa4: {  	v10 =	vpop (erf)  }
0xa5: {  	v7 =	vadd.f32 $-1.000000000e+00, v7;
	v10 =	vmul.f32 v10, v8;
	_ =	sdelay $0x1  }
0xa6: {  	v11 =	vperm.xlane v9, v4;
	v10 =	vadd.f32 v10, v7;
	v7 =	vperm.xlane v9, v5;
	_ =	sdelay $0x1  }
0xa7: {  	v9 =	vsub.f32 $0.0e+00, v10;
	v12 =	vmax.f32 v11, v7  }
0xa8: {  	v13 =	vsub.f32 v11, v12  }
0xa9: {  	v14 =	vsub.f32 v7, v12;
	v9 =	vmul.f32 $1.442695020e+00, v9  }
0xaa: {  	v13 =	vmul.f32 $1.442695020e+00, v13  }
0xab: {  	(erf) = vpow2.f32 v9;
	v9 =	vmul.f32 $1.442695020e+00, v14  }
0xac: {  	(erf) = vpow2.f32 v13  }
0xad: {  	(erf) = vpow2.f32 v9;
	_ =	sdelay $0x6  }
0xae: {  	v9 =	vpop (erf)  }
0xaf: {  	v13 =	vpop (erf)  }
0xb0: {  	v14 =	vpop (erf)  }
0xb1: {  	v13 =	vadd.f32 v14, v13;
	_ =	sdelay $0x1  }
0xb2: {  	v14 =	vshra.s32 v13, $0x17  }
0xb3: {  	v14 =	vadd.s32 $0xFFFFFF81, v14  }
0xb4: {  	v14 =	vcvt.s32.f32 v14;
	_ =	sdelay $0x1  }
0xb5: {  	v14 =	vmul.f32 $6.931471820e-01, v14;
	_ =	sdelay $0x1  }
0xb6: {  	v14 =	vadd.f32 $3.465999960e-01, v14;
	_ =	sdelay $0x1  }
0xb7: {  	v15 =	vsub.f32 $0.0e+00, v14;
	_ =	sdelay $0x1  }
0xb8: {  	v15 =	vmul.f32 $1.442695020e+00, v15;
	_ =	sdelay $0x1  }
0xb9: {  	(erf) = vpow2.f32 v15;
	_ =	sdelay $0x8  }
0xba: {  	v15 =	vpop (erf)  }
0xbb: {  	v14 =	vadd.f32 $-1.000000000e+00, v14;
	v15 =	vmul.f32 v15, v13;
	_ =	sdelay $0x1  }
0xbc: {  	v14 =	vadd.f32 v15, v14;
	_ =	sdelay $0x1  }
0xbd: {  	v15 =	vsub.f32 $0.0e+00, v14;
	_ =	sdelay $0x1  }
0xbe: {  	v15 =	vmul.f32 $1.442695020e+00, v15;
	_ =	sdelay $0x1  }
0xbf: {  	(erf) = vpow2.f32 v15;
	_ =	sdelay $0x8  }
0xc0: {  	v15 =	vpop (erf)  }
0xc1: {  	v14 =	vadd.f32 $-1.000000000e+00, v14;
	v15 =	vmul.f32 v15, v13;
	_ =	sdelay $0x1  }
0xc2: {  	v14 =	vadd.f32 v15, v14;
	_ =	sdelay $0x1  }
0xc3: {  	v15 =	vsub.f32 $0.0e+00, v14;
	_ =	sdelay $0x1  }
0xc4: {  	v15 =	vmul.f32 $1.442695020e+00, v15;
	_ =	sdelay $0x1  }
0xc5: {  	(erf) = vpow2.f32 v15;
	_ =	sdelay $0x8  }
0xc6: {  	v15 =	vpop (erf)  }
0xc7: {  	v14 =	vadd.f32 $-1.000000000e+00, v14;
	v13 =	vmul.f32 v15, v13;
	_ =	sdelay $0x1  }
0xc8: {  	v10 =	vadd.f32 $-1.000000000e+00, v10;
	v8 =	vmul.f32 v9, v8;
	v9 =	vadd.f32 v13, v14;
	_ =	sdelay $0x1  }
0xc9: {  	s10 =	simm.s32 $0x0;
	v10 =	vadd.f32 v8, v10;
	v8 =	vadd.f32 v9, v12  }
0xca: {  	v14 =	vld [tilespmem:s10+$0x70]  }
0xcb: {  	v6 =	vadd.f32 v10, v6;
	v15 =	vld [tilespmem:s10+$0x0];
	v9 =	vsub.f32 v11, v8  }
0xcc: {  	v16 =	vld [tilespmem:s10+$0x10]  }
0xcd: {  	v13 =	vld [tilespmem:s10+$0x20];
	v6 =	vsub.f32 v9, v6  }
0xce: {  	v12 =	vld [tilespmem:s10+$0x30]  }
0xcf: {  	v9 =	vld [tilespmem:s10+$0x40];
	v17 =	vadd.f32 v14, v6  }
0xd0: {  	v10 =	vld [tilespmem:s10+$0x50];
	v14 =	vadd.f32 v15, v6  }
0xd1: {  	s11 =	simm.s32 $0x80;
	s12 =	simm.s32 $0x400;
	v11 =	vld [tilespmem:s10+$0x60];
	v15 =	vadd.f32 v16, v6;
	[tilespmem:s10+$0x8F0] =	vst v17  }
.LBB2_7:
0xd2: {  	p0 =	sne.s32 s12, $0x1E00;
	v16 =	vld [tilespmem:s11+$0x70];
	[tilespmem:s10+$0x880] =	vst v14;
	v13 =	vadd.f32 v13, v6  }
0xd3: {  	v14 =	vld [tilespmem:s11+$0x0];
	[tilespmem:s10+$0x890] =	vst v15;
	v12 =	vadd.f32 v12, v6  }
0xd4: {  	v15 =	vld [tilespmem:s11+$0x10];
	[tilespmem:s10+$0x8A0] =	vst v13;
	v9 =	vadd.f32 v9, v6  }
.Ltmp3:
0xd5: {  	v13 =	vld [tilespmem:s11+$0x20];
	[tilespmem:s10+$0x8B0] =	vst v12;
	v10 =	vadd.f32 v10, v6;
	(pc) =	sbr.rel @p0 .LBB2_7-.Ltmp3, $4  }
0xd6: {  	v12 =	vld [tilespmem:s11+$0x30];
	[tilespmem:s10+$0x8C0] =	vst v9;
	v11 =	vadd.f32 v11, v6  }
0xd7: {  	v9 =	vld [tilespmem:s11+$0x40];
	v16 =	vadd.f32 v16, v6;
	[tilespmem:s10+$0x8D0] =	vst v10  }
0xd8: {  	v14 =	vadd.f32 v14, v6;
	v10 =	vld [tilespmem:s11+$0x50];
	[tilespmem:s10+$0x8E0] =	vst v11;
	s10 =	smov.u32 s11  }
0xd9: {  	s11 =	sshra.s32 s12, $0x2;
	s12 =	sadd.s32 $0x200, s12;
	v15 =	vadd.f32 v15, v6;
	v11 =	vld [tilespmem:s10+$0x60];
	[tilespmem:s10+$0x8F0] =	vst v16  }
0xda: {  	v16 =	vld [tilespmem:s11+$0x70];
	[tilespmem:s10+$0x880] =	vst v14;
	v13 =	vadd.f32 v13, v6  }
0xdb: {  	v14 =	vld [tilespmem:s11+$0x0];
	[tilespmem:s10+$0x890] =	vst v15;
	v12 =	vadd.f32 v12, v6  }
0xdc: {  	v15 =	vld [tilespmem:s11+$0x10];
	[tilespmem:s10+$0x8A0] =	vst v13;
	v9 =	vadd.f32 v9, v6  }
0xdd: {  	v13 =	vld [tilespmem:s11+$0x20];
	[tilespmem:s10+$0x8B0] =	vst v12;
	v10 =	vadd.f32 v10, v6  }
0xde: {  	v12 =	vld [tilespmem:s11+$0x30];
	[tilespmem:s10+$0x8C0] =	vst v9;
	v11 =	vadd.f32 v11, v6  }
0xdf: {  	v9 =	vld [tilespmem:s11+$0x40];
	[tilespmem:s10+$0x8D0] =	vst v10;
	v16 =	vadd.f32 v16, v6  }
0xe0: {  	v10 =	vld [tilespmem:s11+$0x50];
	[tilespmem:s10+$0x8E0] =	vst v11;
	v61 =	vadd.f32 v14, v6  }
0xe1: {  	v62 =	vld [tilespmem:s11+$0x60];
	v15 =	vadd.f32 v15, v6;
	[tilespmem:s11+$0x8F0] =	vst v16  }
0xe2: {  	[tilespmem:s11+$0x880] =	vst v61;
	v63 =	vadd.f32 v13, v6  }
0xe3: {  	[tilespmem:s11+$0x890] =	vst v15;
	v12 =	vadd.f32 v12, v6  }
0xe4: {  	[tilespmem:s11+$0x8A0] =	vst v63;
	v9 =	vadd.f32 v9, v6  }
0xe5: {  	[tilespmem:s11+$0x8B0] =	vst v12;
	v10 =	vadd.f32 v10, v6  }
0xe6: {  	v7 =	vsub.f32 v7, v8;
	[tilespmem:s11+$0x8C0] =	vst v9;
	v6 =	vadd.f32 v62, v6  }
0xe7: {  	s2 =	sadd.s32 $0x1, s2;
	[tilespmem:s11+$0x8D0] =	vst v10  }
0xe8: {  	p0 =	sne.s32 s2, s5;
	[tilespmem:s11+$0x8E0] =	vst v6;
	v6 =	vnsel vm0, $0x0, v7  }
.Ltmp4:
0xe9: {  	[tilespmem:$0x1080] =	vst v6;
	(pc) =	sbr.rel @p0 .LBB2_2-.Ltmp4, $4  }
0xea: {  	[hbm4b:s3+s6] =	stream.strided.scatter [tilespmem:s9], [sflag:$0x1], $0x880, s7, s6, $0x38;
	[tilespmem:$0x1100] =	vst v63  }
0xeb: {  	_ =	swait.ge [sflag:s8], $0x880  }
0xec: {  	[sflag:s8] =	ssyncset.done $0x0  }
0xed: {  	[sflag:s8] =	ssyncadd.s32 $0xFFFFF780  }
.LBB2_9:
0xee: {  	_ =	sfence.sel $0x180000  }
0xef: {  	[bflag:$0x0] =	sbarrier.arrive $0xFFFF  }
0xf0: {  	p0 =	sne.s32 s1, $0x0;
	_ =	strace $0x90000047  }
0xf1: {  	s0 =	sadd.s32 @!p0 $0x100000, s0;
	[bflag:$0x2] =	sbarrier.arrive $0xFFFF  }
0xf2: {  	[sflag:s0] =	ssyncadd.tile.s32 @!p0 $0x1;
	_ =	shalt  }
.Lfunc_end2:
_tile_overlayer_lowered:
.L_overlay_start_2:
0xf3: {  	(tag) =	ssettag $0x2  }
0xf4: {  	s0 =	rddreg [dreg:$0x0];
	s2 =	stileid.u32  }
0xf5: {  	s1 =	rddreg [dreg:$0x1];
	p0 =	sne.s32 s2, $0x0  }
0xf6: {  	s3 =	rddreg [dreg:$0x2];
	[bflag:$0x3] =	sbarrier.arrive $0xFFFF;
	s2 =	simm.s32 @!p0 $0x1C01  }
0xf7: {  	[timem:s3], [sflag:s2] =	dma.local @!p0 [hbm:s0], s1  }
0xf8: {  	s0 =	simm.s32 @!p0 $0x1  }
0xf9: {  	_ =	swait.ge @!p0 [sflag:s0], s1  }
0xfa: {  	s1 =	ssub.s32 @!p0 $0x0, s1;
	[sflag:s0] =	ssyncset.done @!p0 $0x0  }
0xfb: {  	[sflag:s0] =	ssyncadd.s32 @!p0 s1  }
0xfc: {  	[bflag:$0x3] =	sbarrier.arrive $0xFFFF  }
0xfd: {  	_ =	shalt  }

</sc_bundles>
